<compile_context>
chip_gen: v7x
topology: tpu7x:2x2x1
jax: 0.10.2.dev20260603
libtpu: 0.0.44.dev20260713+nightly
codegen_flags: <defaults>
</compile_context>

<pallas_src>
import functools

import jax
import jax.numpy as jnp
from jax import lax
from jax.experimental import pallas as pl
from jax.experimental.pallas import tpu as pltpu
from jax.experimental.pallas import tpu_sc as plsc

_CHUNK = 128


@functools.lru_cache(maxsize=None)
def _make_gather_kernel(B: int, D: int, n_streams: int):
    info = plsc.get_sparse_core_info()
    nw = info.num_cores * info.num_subcores
    per_w = B // nw
    n_chunk = per_w // _CHUNK

    mesh = plsc.VectorSubcoreMesh(core_axis_name="c", subcore_axis_name="s")
    out = jax.ShapeDtypeStruct((nw, n_chunk, _CHUNK, D), jnp.float32)
    idx_t = pltpu.VMEM((n_chunk, _CHUNK), jnp.int32)
    rows_t = pltpu.VMEM((n_chunk, _CHUNK, D), jnp.float32)

    @functools.partial(
        pl.kernel,
        mesh=mesh,
        out_type=(out,) * n_streams,
        scratch_types=[idx_t] * n_streams + [rows_t] * n_streams
        + [pltpu.SemaphoreType.DMA],
        compiler_params=pltpu.CompilerParams(use_tc_tiling_on_sc=False),
    )
    def gather(*args):
        ix_refs = args[:n_streams]
        tab = args[n_streams]
        out_refs = args[n_streams + 1:2 * n_streams + 1]
        idx_refs = args[2 * n_streams + 1:3 * n_streams + 1]
        rows_refs = args[3 * n_streams + 1:4 * n_streams + 1]
        sem = args[-1]
        wid = lax.axis_index("s") * info.num_cores + lax.axis_index("c")
        for ix, idx in zip(ix_refs, idx_refs):
            pltpu.sync_copy(ix.at[wid], idx)
        copies = []
        for idx, rows in zip(idx_refs, rows_refs):
            for j in range(n_chunk):
                copies.append(pltpu.async_copy(tab.at[idx.at[j]], rows.at[j], sem))
        for cp in copies:
            cp.wait()
        for rows, out_ref in zip(rows_refs, out_refs):
            pltpu.sync_copy(rows, out_ref.at[wid])

    return gather, nw, n_chunk


def kernel(users, positives, negatives, User_Emb, Item_Emb):
    B = users.shape[0]
    D = User_Emb.shape[1]
    gather1, nw, n_chunk = _make_gather_kernel(B, D, 1)
    gather2, _, _ = _make_gather_kernel(B, D, 2)
    shape3 = (nw, n_chunk, _CHUNK)
    u = users.astype(jnp.int32).reshape(shape3)
    p = positives.astype(jnp.int32).reshape(shape3)
    n = negatives.astype(jnp.int32).reshape(shape3)
    out_p, out_n = gather2(p, n, Item_Emb)
    (out_u,) = gather1(u, User_Emb)
    return (out_u.reshape(B, D), out_p.reshape(B, D), out_n.reshape(B, D))

# --- scband reference (transcript-rebuilt; emitter-appended) ---
"""Pipeline reference for scband-mf-12455405158459 (READ-ONLY COPY).

The authoritative reference and input builder live on the scoring server;
editing this copy changes nothing except your own understanding.
"""

import jax, jax.numpy as jnp
import numpy as np

NUM_USERS = 1000000
NUM_ITEMS = 1000000
DIM = 32
BATCH = 16384


def setup_inputs(seed: int = 0) -> dict:
    key = jax.random.key(seed)
    k_u, k_p, k_n, k_ue, k_ie = jax.random.split(key, 5)
    users = jax.random.randint(k_u, (BATCH,), 0, NUM_USERS, dtype=jnp.int64) if jax.config.jax_enable_x64 else jax.random.randint(k_u, (BATCH,), 0, NUM_USERS).astype(jnp.int32)
    positives = jax.random.randint(k_p, (BATCH,), 0, NUM_ITEMS).astype(users.dtype)
    negatives = jax.random.randint(k_n, (BATCH,), 0, NUM_ITEMS).astype(users.dtype)
    User_Emb = jax.random.normal(k_ue, (NUM_USERS, DIM), dtype=jnp.float32) * 0.01
    Item_Emb = jax.random.normal(k_ie, (NUM_ITEMS, DIM), dtype=jnp.float32) * 0.01
    return {"users": users, "positives": positives, "negatives": negatives, "User_Emb": User_Emb, "Item_Emb": Item_Emb}


def reference(users, positives, negatives, User_Emb, Item_Emb):
    user_embs = jnp.take(User_Emb, users, axis=0)
    pos_item_embs = jnp.take(Item_Emb, positives, axis=0)
    neg_item_embs = jnp.take(Item_Emb, negatives, axis=0)
    return (user_embs, pos_item_embs, neg_item_embs)

if __name__ == "__main__":
    import jax
    _d = setup_inputs()
    print(jax.jit(kernel)(*tuple(_d.values())))

</pallas_src>

<mosaic_0001>
#map = affine_map<(d0, d1) -> (0, 0, 0)>
#map1 = affine_map<(d0, d1) -> (0, 0)>
#map2 = affine_map<(d0, d1) -> (0, 0, 0, 0)>
module attributes {stable_mosaic.version = 14 : i64} {
  func.func @gather(%arg0: i32, %arg1: i32, %arg2: memref<32x4x128xi32, #tpu.memory_space<hbm>>, %arg3: memref<1000000x32xf32, #tpu.memory_space<hbm>>, %arg4: memref<32x4x128x32xf32, #tpu.memory_space<hbm>>, %arg5: memref<4x128xi32, #tpu.memory_space<vmem>>, %arg6: memref<4x128x32xf32, #tpu.memory_space<vmem>>, %arg7: memref<!tpu.dma_semaphore, #tpu.memory_space<semaphore_mem>>) attributes {dimension_semantics = [#tpu.dimension_semantics<core_parallel>, #tpu.dimension_semantics<subcore_parallel>], iteration_bounds = array<i64: 2, 16>, scalar_prefetch = 0 : i64, scratch_operands = 3 : i64, tpu.core_type = #tpu.core_type<sc_vector_subcore>, window_params = [{transform_indices = #map}, {transform_indices = #map1}, {transform_indices = #map2}]} {
    %mul3A = arith.constant 2 : i32
    %mul3A_0 = arith.muli %arg1, %mul3A : i32
    %add3A = arith.addi %mul3A_0, %arg0 : i32
    "tpu.region"() ({
      %run_scoped3A = tpu.sem_alloc : memref<!tpu.dma_semaphore, #tpu.memory_space<semaphore_mem>>
      %dma_start3A_95 = arith.constant 0 : i32
      %dma_start3A_96 = arith.constant 0 : i32
      %dma_start3A_97 = tpu.memref_slice %arg2[%add3A, %dma_start3A_95, %dma_start3A_96] : memref<32x4x128xi32, #tpu.memory_space<hbm>> -> memref<1x4x128xi32, #tpu.memory_space<hbm>>
      %dma_start3A_98 = tpu.memref_squeeze %dma_start3A_97 : memref<1x4x128xi32, #tpu.memory_space<hbm>> -> memref<4x128xi32, #tpu.memory_space<hbm>>
      %dma_start3A_99 = arith.constant 0 : i32
      %dma_start3A_100 = arith.constant 0 : i32
      %dma_start3A_101 = tpu.memref_slice %arg2[%add3A, %dma_start3A_99, %dma_start3A_100] : memref<32x4x128xi32, #tpu.memory_space<hbm>> -> memref<1x4x128xi32, #tpu.memory_space<hbm>>
      %dma_start3A_102 = tpu.memref_squeeze %dma_start3A_101 : memref<1x4x128xi32, #tpu.memory_space<hbm>> -> memref<4x128xi32, #tpu.memory_space<hbm>>
      tpu.enqueue_dma source(%dma_start3A_102 : memref<4x128xi32, #tpu.memory_space<hbm>>) target(%arg5 : memref<4x128xi32, #tpu.memory_space<vmem>>) target_semaphore(%run_scoped3A : memref<!tpu.dma_semaphore, #tpu.memory_space<semaphore_mem>>)
      %dma_wait3A_103 = arith.constant 0 : i32
      %dma_wait3A_104 = arith.constant 0 : i32
      %dma_wait3A_105 = tpu.memref_slice %arg2[%add3A, %dma_wait3A_103, %dma_wait3A_104] : memref<32x4x128xi32, #tpu.memory_space<hbm>> -> memref<1x4x128xi32, #tpu.memory_space<hbm>>
      %dma_wait3A_106 = tpu.memref_squeeze %dma_wait3A_105 : memref<1x4x128xi32, #tpu.memory_space<hbm>> -> memref<4x128xi32, #tpu.memory_space<hbm>>
      %dma_wait3A_107 = arith.constant 0 : i32
      %dma_wait3A_108 = arith.constant 0 : i32
      %dma_wait3A_109 = tpu.memref_slice %arg2[%add3A, %dma_wait3A_107, %dma_wait3A_108] : memref<32x4x128xi32, #tpu.memory_space<hbm>> -> memref<1x4x128xi32, #tpu.memory_space<hbm>>
      %dma_wait3A_110 = tpu.memref_squeeze %dma_wait3A_109 : memref<1x4x128xi32, #tpu.memory_space<hbm>> -> memref<4x128xi32, #tpu.memory_space<hbm>>
      tpu.wait_dma2 semaphore(%run_scoped3A : memref<!tpu.dma_semaphore, #tpu.memory_space<semaphore_mem>>) src(%dma_wait3A_110 : memref<4x128xi32, #tpu.memory_space<hbm>>) dst(%arg5 : memref<4x128xi32, #tpu.memory_space<vmem>>)
      tpu.yield
    }) : () -> ()
    %dma_start3A = arith.constant 0 : i32
    %dma_start3A_1 = arith.constant 0 : i32
    %dma_start3A_2 = arith.constant 0 : i32
    %dma_start3A_3 = arith.constant 0 : i32
    %dma_start3A_4 = tpu.memref_slice %arg6[%dma_start3A_1, %dma_start3A_2, %dma_start3A_3] : memref<4x128x32xf32, #tpu.memory_space<vmem>> -> memref<1x128x32xf32, #tpu.memory_space<vmem>>
    %dma_start3A_5 = tpu.memref_squeeze %dma_start3A_4 : memref<1x128x32xf32, #tpu.memory_space<vmem>> -> memref<128x32xf32, #tpu.memory_space<vmem>>
    %dma_start3A_6 = arith.constant 0 : i32
    %dma_start3A_7 = tpu.memref_slice %arg5[%dma_start3A, %dma_start3A_6] : memref<4x128xi32, #tpu.memory_space<vmem>> -> memref<1x128xi32, #tpu.memory_space<vmem>>
    %dma_start3A_8 = tpu.memref_squeeze %dma_start3A_7 : memref<1x128xi32, #tpu.memory_space<vmem>> -> memref<128xi32, #tpu.memory_space<vmem>>
    %dma_start3A_9 = arith.constant 0 : i32
    %dma_start3A_10 = arith.constant 0 : i32
    %dma_start3A_11 = tpu.memref_slice %arg3[%dma_start3A_9, %dma_start3A_10] : memref<1000000x32xf32, #tpu.memory_space<hbm>> -> memref<1000000x32xf32, #tpu.memory_space<hbm>>
    tpu.enqueue_indirect_dma source(%dma_start3A_11 : memref<1000000x32xf32, #tpu.memory_space<hbm>>) target(%dma_start3A_5 : memref<128x32xf32, #tpu.memory_space<vmem>>) offsets(%dma_start3A_8 : memref<128xi32, #tpu.memory_space<vmem>>) semaphore(%arg7 : memref<!tpu.dma_semaphore, #tpu.memory_space<semaphore_mem>>)
    %dma_start3A_12 = arith.constant 1 : i32
    %dma_start3A_13 = arith.constant 1 : i32
    %dma_start3A_14 = arith.constant 0 : i32
    %dma_start3A_15 = arith.constant 0 : i32
    %dma_start3A_16 = tpu.memref_slice %arg6[%dma_start3A_13, %dma_start3A_14, %dma_start3A_15] : memref<4x128x32xf32, #tpu.memory_space<vmem>> -> memref<1x128x32xf32, #tpu.memory_space<vmem>>
    %dma_start3A_17 = tpu.memref_squeeze %dma_start3A_16 : memref<1x128x32xf32, #tpu.memory_space<vmem>> -> memref<128x32xf32, #tpu.memory_space<vmem>>
    %dma_start3A_18 = arith.constant 0 : i32
    %dma_start3A_19 = tpu.memref_slice %arg5[%dma_start3A_12, %dma_start3A_18] : memref<4x128xi32, #tpu.memory_space<vmem>> -> memref<1x128xi32, #tpu.memory_space<vmem>>
    %dma_start3A_20 = tpu.memref_squeeze %dma_start3A_19 : memref<1x128xi32, #tpu.memory_space<vmem>> -> memref<128xi32, #tpu.memory_space<vmem>>
    %dma_start3A_21 = arith.constant 0 : i32
    %dma_start3A_22 = arith.constant 0 : i32
    %dma_start3A_23 = tpu.memref_slice %arg3[%dma_start3A_21, %dma_start3A_22] : memref<1000000x32xf32, #tpu.memory_space<hbm>> -> memref<1000000x32xf32, #tpu.memory_space<hbm>>
    tpu.enqueue_indirect_dma source(%dma_start3A_23 : memref<1000000x32xf32, #tpu.memory_space<hbm>>) target(%dma_start3A_17 : memref<128x32xf32, #tpu.memory_space<vmem>>) offsets(%dma_start3A_20 : memref<128xi32, #tpu.memory_space<vmem>>) semaphore(%arg7 : memref<!tpu.dma_semaphore, #tpu.memory_space<semaphore_mem>>)
    %dma_start3A_24 = arith.constant 2 : i32
    %dma_start3A_25 = arith.constant 2 : i32
    %dma_start3A_26 = arith.constant 0 : i32
    %dma_start3A_27 = arith.constant 0 : i32
    %dma_start3A_28 = tpu.memref_slice %arg6[%dma_start3A_25, %dma_start3A_26, %dma_start3A_27] : memref<4x128x32xf32, #tpu.memory_space<vmem>> -> memref<1x128x32xf32, #tpu.memory_space<vmem>>
    %dma_start3A_29 = tpu.memref_squeeze %dma_start3A_28 : memref<1x128x32xf32, #tpu.memory_space<vmem>> -> memref<128x32xf32, #tpu.memory_space<vmem>>
    %dma_start3A_30 = arith.constant 0 : i32
    %dma_start3A_31 = tpu.memref_slice %arg5[%dma_start3A_24, %dma_start3A_30] : memref<4x128xi32, #tpu.memory_space<vmem>> -> memref<1x128xi32, #tpu.memory_space<vmem>>
    %dma_start3A_32 = tpu.memref_squeeze %dma_start3A_31 : memref<1x128xi32, #tpu.memory_space<vmem>> -> memref<128xi32, #tpu.memory_space<vmem>>
    %dma_start3A_33 = arith.constant 0 : i32
    %dma_start3A_34 = arith.constant 0 : i32
    %dma_start3A_35 = tpu.memref_slice %arg3[%dma_start3A_33, %dma_start3A_34] : memref<1000000x32xf32, #tpu.memory_space<hbm>> -> memref<1000000x32xf32, #tpu.memory_space<hbm>>
    tpu.enqueue_indirect_dma source(%dma_start3A_35 : memref<1000000x32xf32, #tpu.memory_space<hbm>>) target(%dma_start3A_29 : memref<128x32xf32, #tpu.memory_space<vmem>>) offsets(%dma_start3A_32 : memref<128xi32, #tpu.memory_space<vmem>>) semaphore(%arg7 : memref<!tpu.dma_semaphore, #tpu.memory_space<semaphore_mem>>)
    %dma_start3A_36 = arith.constant 3 : i32
    %dma_start3A_37 = arith.constant 3 : i32
    %dma_start3A_38 = arith.constant 0 : i32
    %dma_start3A_39 = arith.constant 0 : i32
    %dma_start3A_40 = tpu.memref_slice %arg6[%dma_start3A_37, %dma_start3A_38, %dma_start3A_39] : memref<4x128x32xf32, #tpu.memory_space<vmem>> -> memref<1x128x32xf32, #tpu.memory_space<vmem>>
    %dma_start3A_41 = tpu.memref_squeeze %dma_start3A_40 : memref<1x128x32xf32, #tpu.memory_space<vmem>> -> memref<128x32xf32, #tpu.memory_space<vmem>>
    %dma_start3A_42 = arith.constant 0 : i32
    %dma_start3A_43 = tpu.memref_slice %arg5[%dma_start3A_36, %dma_start3A_42] : memref<4x128xi32, #tpu.memory_space<vmem>> -> memref<1x128xi32, #tpu.memory_space<vmem>>
    %dma_start3A_44 = tpu.memref_squeeze %dma_start3A_43 : memref<1x128xi32, #tpu.memory_space<vmem>> -> memref<128xi32, #tpu.memory_space<vmem>>
    %dma_start3A_45 = arith.constant 0 : i32
    %dma_start3A_46 = arith.constant 0 : i32
    %dma_start3A_47 = tpu.memref_slice %arg3[%dma_start3A_45, %dma_start3A_46] : memref<1000000x32xf32, #tpu.memory_space<hbm>> -> memref<1000000x32xf32, #tpu.memory_space<hbm>>
    tpu.enqueue_indirect_dma source(%dma_start3A_47 : memref<1000000x32xf32, #tpu.memory_space<hbm>>) target(%dma_start3A_41 : memref<128x32xf32, #tpu.memory_space<vmem>>) offsets(%dma_start3A_44 : memref<128xi32, #tpu.memory_space<vmem>>) semaphore(%arg7 : memref<!tpu.dma_semaphore, #tpu.memory_space<semaphore_mem>>)
    %dma_wait3A = arith.constant 0 : i32
    %dma_wait3A_48 = arith.constant 0 : i32
    %dma_wait3A_49 = arith.constant 0 : i32
    %dma_wait3A_50 = arith.constant 0 : i32
    %dma_wait3A_51 = tpu.memref_slice %arg6[%dma_wait3A_48, %dma_wait3A_49, %dma_wait3A_50] : memref<4x128x32xf32, #tpu.memory_space<vmem>> -> memref<1x128x32xf32, #tpu.memory_space<vmem>>
    %dma_wait3A_52 = tpu.memref_squeeze %dma_wait3A_51 : memref<1x128x32xf32, #tpu.memory_space<vmem>> -> memref<128x32xf32, #tpu.memory_space<vmem>>
    %dma_wait3A_53 = arith.constant 0 : i32
    %dma_wait3A_54 = tpu.memref_slice %arg5[%dma_wait3A, %dma_wait3A_53] : memref<4x128xi32, #tpu.memory_space<vmem>> -> memref<1x128xi32, #tpu.memory_space<vmem>>
    %dma_wait3A_55 = tpu.memref_squeeze %dma_wait3A_54 : memref<1x128xi32, #tpu.memory_space<vmem>> -> memref<128xi32, #tpu.memory_space<vmem>>
    %dma_wait3A_56 = arith.constant 0 : i32
    %dma_wait3A_57 = arith.constant 0 : i32
    %dma_wait3A_58 = tpu.memref_slice %arg3[%dma_wait3A_56, %dma_wait3A_57] : memref<1000000x32xf32, #tpu.memory_space<hbm>> -> memref<1000000x32xf32, #tpu.memory_space<hbm>>
    tpu.wait_indirect_dma semaphore(%arg7 : memref<!tpu.dma_semaphore, #tpu.memory_space<semaphore_mem>>) src(%dma_wait3A_58 : memref<1000000x32xf32, #tpu.memory_space<hbm>>) dst(%dma_wait3A_52 : memref<128x32xf32, #tpu.memory_space<vmem>>)
    %dma_wait3A_59 = arith.constant 1 : i32
    %dma_wait3A_60 = arith.constant 1 : i32
    %dma_wait3A_61 = arith.constant 0 : i32
    %dma_wait3A_62 = arith.constant 0 : i32
    %dma_wait3A_63 = tpu.memref_slice %arg6[%dma_wait3A_60, %dma_wait3A_61, %dma_wait3A_62] : memref<4x128x32xf32, #tpu.memory_space<vmem>> -> memref<1x128x32xf32, #tpu.memory_space<vmem>>
    %dma_wait3A_64 = tpu.memref_squeeze %dma_wait3A_63 : memref<1x128x32xf32, #tpu.memory_space<vmem>> -> memref<128x32xf32, #tpu.memory_space<vmem>>
    %dma_wait3A_65 = arith.constant 0 : i32
    %dma_wait3A_66 = tpu.memref_slice %arg5[%dma_wait3A_59, %dma_wait3A_65] : memref<4x128xi32, #tpu.memory_space<vmem>> -> memref<1x128xi32, #tpu.memory_space<vmem>>
    %dma_wait3A_67 = tpu.memref_squeeze %dma_wait3A_66 : memref<1x128xi32, #tpu.memory_space<vmem>> -> memref<128xi32, #tpu.memory_space<vmem>>
    %dma_wait3A_68 = arith.constant 0 : i32
    %dma_wait3A_69 = arith.constant 0 : i32
    %dma_wait3A_70 = tpu.memref_slice %arg3[%dma_wait3A_68, %dma_wait3A_69] : memref<1000000x32xf32, #tpu.memory_space<hbm>> -> memref<1000000x32xf32, #tpu.memory_space<hbm>>
    tpu.wait_indirect_dma semaphore(%arg7 : memref<!tpu.dma_semaphore, #tpu.memory_space<semaphore_mem>>) src(%dma_wait3A_70 : memref<1000000x32xf32, #tpu.memory_space<hbm>>) dst(%dma_wait3A_64 : memref<128x32xf32, #tpu.memory_space<vmem>>)
    %dma_wait3A_71 = arith.constant 2 : i32
    %dma_wait3A_72 = arith.constant 2 : i32
    %dma_wait3A_73 = arith.constant 0 : i32
    %dma_wait3A_74 = arith.constant 0 : i32
    %dma_wait3A_75 = tpu.memref_slice %arg6[%dma_wait3A_72, %dma_wait3A_73, %dma_wait3A_74] : memref<4x128x32xf32, #tpu.memory_space<vmem>> -> memref<1x128x32xf32, #tpu.memory_space<vmem>>
    %dma_wait3A_76 = tpu.memref_squeeze %dma_wait3A_75 : memref<1x128x32xf32, #tpu.memory_space<vmem>> -> memref<128x32xf32, #tpu.memory_space<vmem>>
    %dma_wait3A_77 = arith.constant 0 : i32
    %dma_wait3A_78 = tpu.memref_slice %arg5[%dma_wait3A_71, %dma_wait3A_77] : memref<4x128xi32, #tpu.memory_space<vmem>> -> memref<1x128xi32, #tpu.memory_space<vmem>>
    %dma_wait3A_79 = tpu.memref_squeeze %dma_wait3A_78 : memref<1x128xi32, #tpu.memory_space<vmem>> -> memref<128xi32, #tpu.memory_space<vmem>>
    %dma_wait3A_80 = arith.constant 0 : i32
    %dma_wait3A_81 = arith.constant 0 : i32
    %dma_wait3A_82 = tpu.memref_slice %arg3[%dma_wait3A_80, %dma_wait3A_81] : memref<1000000x32xf32, #tpu.memory_space<hbm>> -> memref<1000000x32xf32, #tpu.memory_space<hbm>>
    tpu.wait_indirect_dma semaphore(%arg7 : memref<!tpu.dma_semaphore, #tpu.memory_space<semaphore_mem>>) src(%dma_wait3A_82 : memref<1000000x32xf32, #tpu.memory_space<hbm>>) dst(%dma_wait3A_76 : memref<128x32xf32, #tpu.memory_space<vmem>>)
    %dma_wait3A_83 = arith.constant 3 : i32
    %dma_wait3A_84 = arith.constant 3 : i32
    %dma_wait3A_85 = arith.constant 0 : i32
    %dma_wait3A_86 = arith.constant 0 : i32
    %dma_wait3A_87 = tpu.memref_slice %arg6[%dma_wait3A_84, %dma_wait3A_85, %dma_wait3A_86] : memref<4x128x32xf32, #tpu.memory_space<vmem>> -> memref<1x128x32xf32, #tpu.memory_space<vmem>>
    %dma_wait3A_88 = tpu.memref_squeeze %dma_wait3A_87 : memref<1x128x32xf32, #tpu.memory_space<vmem>> -> memref<128x32xf32, #tpu.memory_space<vmem>>
    %dma_wait3A_89 = arith.constant 0 : i32
    %dma_wait3A_90 = tpu.memref_slice %arg5[%dma_wait3A_83, %dma_wait3A_89] : memref<4x128xi32, #tpu.memory_space<vmem>> -> memref<1x128xi32, #tpu.memory_space<vmem>>
    %dma_wait3A_91 = tpu.memref_squeeze %dma_wait3A_90 : memref<1x128xi32, #tpu.memory_space<vmem>> -> memref<128xi32, #tpu.memory_space<vmem>>
    %dma_wait3A_92 = arith.constant 0 : i32
    %dma_wait3A_93 = arith.constant 0 : i32
    %dma_wait3A_94 = tpu.memref_slice %arg3[%dma_wait3A_92, %dma_wait3A_93] : memref<1000000x32xf32, #tpu.memory_space<hbm>> -> memref<1000000x32xf32, #tpu.memory_space<hbm>>
    tpu.wait_indirect_dma semaphore(%arg7 : memref<!tpu.dma_semaphore, #tpu.memory_space<semaphore_mem>>) src(%dma_wait3A_94 : memref<1000000x32xf32, #tpu.memory_space<hbm>>) dst(%dma_wait3A_88 : memref<128x32xf32, #tpu.memory_space<vmem>>)
    "tpu.region"() ({
      %run_scoped3A = tpu.sem_alloc : memref<!tpu.dma_semaphore, #tpu.memory_space<semaphore_mem>>
      %dma_start3A_95 = arith.constant 0 : i32
      %dma_start3A_96 = arith.constant 0 : i32
      %dma_start3A_97 = arith.constant 0 : i32
      %dma_start3A_98 = tpu.memref_slice %arg4[%add3A, %dma_start3A_95, %dma_start3A_96, %dma_start3A_97] : memref<32x4x128x32xf32, #tpu.memory_space<hbm>> -> memref<1x4x128x32xf32, #tpu.memory_space<hbm>>
      %dma_start3A_99 = tpu.memref_squeeze %dma_start3A_98 : memref<1x4x128x32xf32, #tpu.memory_space<hbm>> -> memref<4x128x32xf32, #tpu.memory_space<hbm>>
      %dma_start3A_100 = arith.constant 0 : i32
      %dma_start3A_101 = arith.constant 0 : i32
      %dma_start3A_102 = arith.constant 0 : i32
      %dma_start3A_103 = tpu.memref_slice %arg4[%add3A, %dma_start3A_100, %dma_start3A_101, %dma_start3A_102] : memref<32x4x128x32xf32, #tpu.memory_space<hbm>> -> memref<1x4x128x32xf32, #tpu.memory_space<hbm>>
      %dma_start3A_104 = tpu.memref_squeeze %dma_start3A_103 : memref<1x4x128x32xf32, #tpu.memory_space<hbm>> -> memref<4x128x32xf32, #tpu.memory_space<hbm>>
      tpu.enqueue_dma source(%arg6 : memref<4x128x32xf32, #tpu.memory_space<vmem>>) target(%dma_start3A_104 : memref<4x128x32xf32, #tpu.memory_space<hbm>>) target_semaphore(%run_scoped3A : memref<!tpu.dma_semaphore, #tpu.memory_space<semaphore_mem>>)
      %dma_wait3A_105 = arith.constant 0 : i32
      %dma_wait3A_106 = arith.constant 0 : i32
      %dma_wait3A_107 = arith.constant 0 : i32
      %dma_wait3A_108 = tpu.memref_slice %arg4[%add3A, %dma_wait3A_105, %dma_wait3A_106, %dma_wait3A_107] : memref<32x4x128x32xf32, #tpu.memory_space<hbm>> -> memref<1x4x128x32xf32, #tpu.memory_space<hbm>>
      %dma_wait3A_109 = tpu.memref_squeeze %dma_wait3A_108 : memref<1x4x128x32xf32, #tpu.memory_space<hbm>> -> memref<4x128x32xf32, #tpu.memory_space<hbm>>
      %dma_wait3A_110 = arith.constant 0 : i32
      %dma_wait3A_111 = arith.constant 0 : i32
      %dma_wait3A_112 = arith.constant 0 : i32
      %dma_wait3A_113 = tpu.memref_slice %arg4[%add3A, %dma_wait3A_110, %dma_wait3A_111, %dma_wait3A_112] : memref<32x4x128x32xf32, #tpu.memory_space<hbm>> -> memref<1x4x128x32xf32, #tpu.memory_space<hbm>>
      %dma_wait3A_114 = tpu.memref_squeeze %dma_wait3A_113 : memref<1x4x128x32xf32, #tpu.memory_space<hbm>> -> memref<4x128x32xf32, #tpu.memory_space<hbm>>
      tpu.wait_dma2 semaphore(%run_scoped3A : memref<!tpu.dma_semaphore, #tpu.memory_space<semaphore_mem>>) src(%arg6 : memref<4x128x32xf32, #tpu.memory_space<vmem>>) dst(%dma_wait3A_114 : memref<4x128x32xf32, #tpu.memory_space<hbm>>)
      tpu.yield
    }) : () -> ()
    return
  }
}

#map = affine_map<(d0, d1) -> (0, 0, 0)>
#map1 = affine_map<(d0, d1) -> (0, 0)>
#map2 = affine_map<(d0, d1) -> (0, 0, 0, 0)>
module attributes {stable_mosaic.version = 14 : i64} {
  func.func @gather(%arg0: i32, %arg1: i32, %arg2: memref<32x4x128xi32, #tpu.memory_space<hbm>>, %arg3: memref<32x4x128xi32, #tpu.memory_space<hbm>>, %arg4: memref<1000000x32xf32, #tpu.memory_space<hbm>>, %arg5: memref<32x4x128x32xf32, #tpu.memory_space<hbm>>, %arg6: memref<32x4x128x32xf32, #tpu.memory_space<hbm>>, %arg7: memref<4x128xi32, #tpu.memory_space<vmem>>, %arg8: memref<4x128xi32, #tpu.memory_space<vmem>>, %arg9: memref<4x128x32xf32, #tpu.memory_space<vmem>>, %arg10: memref<4x128x32xf32, #tpu.memory_space<vmem>>, %arg11: memref<!tpu.dma_semaphore, #tpu.memory_space<semaphore_mem>>) attributes {dimension_semantics = [#tpu.dimension_semantics<core_parallel>, #tpu.dimension_semantics<subcore_parallel>], iteration_bounds = array<i64: 2, 16>, scalar_prefetch = 0 : i64, scratch_operands = 5 : i64, tpu.core_type = #tpu.core_type<sc_vector_subcore>, window_params = [{transform_indices = #map}, {transform_indices = #map}, {transform_indices = #map1}, {transform_indices = #map2}, {transform_indices = #map2}]} {
    %mul3A = arith.constant 2 : i32
    %mul3A_0 = arith.muli %arg1, %mul3A : i32
    %add3A = arith.addi %mul3A_0, %arg0 : i32
    "tpu.region"() ({
      %run_scoped3A = tpu.sem_alloc : memref<!tpu.dma_semaphore, #tpu.memory_space<semaphore_mem>>
      %dma_start3A_191 = arith.constant 0 : i32
      %dma_start3A_192 = arith.constant 0 : i32
      %dma_start3A_193 = tpu.memref_slice %arg2[%add3A, %dma_start3A_191, %dma_start3A_192] : memref<32x4x128xi32, #tpu.memory_space<hbm>> -> memref<1x4x128xi32, #tpu.memory_space<hbm>>
      %dma_start3A_194 = tpu.memref_squeeze %dma_start3A_193 : memref<1x4x128xi32, #tpu.memory_space<hbm>> -> memref<4x128xi32, #tpu.memory_space<hbm>>
      %dma_start3A_195 = arith.constant 0 : i32
      %dma_start3A_196 = arith.constant 0 : i32
      %dma_start3A_197 = tpu.memref_slice %arg2[%add3A, %dma_start3A_195, %dma_start3A_196] : memref<32x4x128xi32, #tpu.memory_space<hbm>> -> memref<1x4x128xi32, #tpu.memory_space<hbm>>
      %dma_start3A_198 = tpu.memref_squeeze %dma_start3A_197 : memref<1x4x128xi32, #tpu.memory_space<hbm>> -> memref<4x128xi32, #tpu.memory_space<hbm>>
      tpu.enqueue_dma source(%dma_start3A_198 : memref<4x128xi32, #tpu.memory_space<hbm>>) target(%arg7 : memref<4x128xi32, #tpu.memory_space<vmem>>) target_semaphore(%run_scoped3A : memref<!tpu.dma_semaphore, #tpu.memory_space<semaphore_mem>>)
      %dma_wait3A_199 = arith.constant 0 : i32
      %dma_wait3A_200 = arith.constant 0 : i32
      %dma_wait3A_201 = tpu.memref_slice %arg2[%add3A, %dma_wait3A_199, %dma_wait3A_200] : memref<32x4x128xi32, #tpu.memory_space<hbm>> -> memref<1x4x128xi32, #tpu.memory_space<hbm>>
      %dma_wait3A_202 = tpu.memref_squeeze %dma_wait3A_201 : memref<1x4x128xi32, #tpu.memory_space<hbm>> -> memref<4x128xi32, #tpu.memory_space<hbm>>
      %dma_wait3A_203 = arith.constant 0 : i32
      %dma_wait3A_204 = arith.constant 0 : i32
      %dma_wait3A_205 = tpu.memref_slice %arg2[%add3A, %dma_wait3A_203, %dma_wait3A_204] : memref<32x4x128xi32, #tpu.memory_space<hbm>> -> memref<1x4x128xi32, #tpu.memory_space<hbm>>
      %dma_wait3A_206 = tpu.memref_squeeze %dma_wait3A_205 : memref<1x4x128xi32, #tpu.memory_space<hbm>> -> memref<4x128xi32, #tpu.memory_space<hbm>>
      tpu.wait_dma2 semaphore(%run_scoped3A : memref<!tpu.dma_semaphore, #tpu.memory_space<semaphore_mem>>) src(%dma_wait3A_206 : memref<4x128xi32, #tpu.memory_space<hbm>>) dst(%arg7 : memref<4x128xi32, #tpu.memory_space<vmem>>)
      tpu.yield
    }) : () -> ()
    "tpu.region"() ({
      %run_scoped3A = tpu.sem_alloc : memref<!tpu.dma_semaphore, #tpu.memory_space<semaphore_mem>>
      %dma_start3A_191 = arith.constant 0 : i32
      %dma_start3A_192 = arith.constant 0 : i32
      %dma_start3A_193 = tpu.memref_slice %arg3[%add3A, %dma_start3A_191, %dma_start3A_192] : memref<32x4x128xi32, #tpu.memory_space<hbm>> -> memref<1x4x128xi32, #tpu.memory_space<hbm>>
      %dma_start3A_194 = tpu.memref_squeeze %dma_start3A_193 : memref<1x4x128xi32, #tpu.memory_space<hbm>> -> memref<4x128xi32, #tpu.memory_space<hbm>>
      %dma_start3A_195 = arith.constant 0 : i32
      %dma_start3A_196 = arith.constant 0 : i32
      %dma_start3A_197 = tpu.memref_slice %arg3[%add3A, %dma_start3A_195, %dma_start3A_196] : memref<32x4x128xi32, #tpu.memory_space<hbm>> -> memref<1x4x128xi32, #tpu.memory_space<hbm>>
      %dma_start3A_198 = tpu.memref_squeeze %dma_start3A_197 : memref<1x4x128xi32, #tpu.memory_space<hbm>> -> memref<4x128xi32, #tpu.memory_space<hbm>>
      tpu.enqueue_dma source(%dma_start3A_198 : memref<4x128xi32, #tpu.memory_space<hbm>>) target(%arg8 : memref<4x128xi32, #tpu.memory_space<vmem>>) target_semaphore(%run_scoped3A : memref<!tpu.dma_semaphore, #tpu.memory_space<semaphore_mem>>)
      %dma_wait3A_199 = arith.constant 0 : i32
      %dma_wait3A_200 = arith.constant 0 : i32
      %dma_wait3A_201 = tpu.memref_slice %arg3[%add3A, %dma_wait3A_199, %dma_wait3A_200] : memref<32x4x128xi32, #tpu.memory_space<hbm>> -> memref<1x4x128xi32, #tpu.memory_space<hbm>>
      %dma_wait3A_202 = tpu.memref_squeeze %dma_wait3A_201 : memref<1x4x128xi32, #tpu.memory_space<hbm>> -> memref<4x128xi32, #tpu.memory_space<hbm>>
      %dma_wait3A_203 = arith.constant 0 : i32
      %dma_wait3A_204 = arith.constant 0 : i32
      %dma_wait3A_205 = tpu.memref_slice %arg3[%add3A, %dma_wait3A_203, %dma_wait3A_204] : memref<32x4x128xi32, #tpu.memory_space<hbm>> -> memref<1x4x128xi32, #tpu.memory_space<hbm>>
      %dma_wait3A_206 = tpu.memref_squeeze %dma_wait3A_205 : memref<1x4x128xi32, #tpu.memory_space<hbm>> -> memref<4x128xi32, #tpu.memory_space<hbm>>
      tpu.wait_dma2 semaphore(%run_scoped3A : memref<!tpu.dma_semaphore, #tpu.memory_space<semaphore_mem>>) src(%dma_wait3A_206 : memref<4x128xi32, #tpu.memory_space<hbm>>) dst(%arg8 : memref<4x128xi32, #tpu.memory_space<vmem>>)
      tpu.yield
    }) : () -> ()
    %dma_start3A = arith.constant 0 : i32
    %dma_start3A_1 = arith.constant 0 : i32
    %dma_start3A_2 = arith.constant 0 : i32
    %dma_start3A_3 = arith.constant 0 : i32
    %dma_start3A_4 = tpu.memref_slice %arg9[%dma_start3A_1, %dma_start3A_2, %dma_start3A_3] : memref<4x128x32xf32, #tpu.memory_space<vmem>> -> memref<1x128x32xf32, #tpu.memory_space<vmem>>
    %dma_start3A_5 = tpu.memref_squeeze %dma_start3A_4 : memref<1x128x32xf32, #tpu.memory_space<vmem>> -> memref<128x32xf32, #tpu.memory_space<vmem>>
    %dma_start3A_6 = arith.constant 0 : i32
    %dma_start3A_7 = tpu.memref_slice %arg7[%dma_start3A, %dma_start3A_6] : memref<4x128xi32, #tpu.memory_space<vmem>> -> memref<1x128xi32, #tpu.memory_space<vmem>>
    %dma_start3A_8 = tpu.memref_squeeze %dma_start3A_7 : memref<1x128xi32, #tpu.memory_space<vmem>> -> memref<128xi32, #tpu.memory_space<vmem>>
    %dma_start3A_9 = arith.constant 0 : i32
    %dma_start3A_10 = arith.constant 0 : i32
    %dma_start3A_11 = tpu.memref_slice %arg4[%dma_start3A_9, %dma_start3A_10] : memref<1000000x32xf32, #tpu.memory_space<hbm>> -> memref<1000000x32xf32, #tpu.memory_space<hbm>>
    tpu.enqueue_indirect_dma source(%dma_start3A_11 : memref<1000000x32xf32, #tpu.memory_space<hbm>>) target(%dma_start3A_5 : memref<128x32xf32, #tpu.memory_space<vmem>>) offsets(%dma_start3A_8 : memref<128xi32, #tpu.memory_space<vmem>>) semaphore(%arg11 : memref<!tpu.dma_semaphore, #tpu.memory_space<semaphore_mem>>)
    %dma_start3A_12 = arith.constant 1 : i32
    %dma_start3A_13 = arith.constant 1 : i32
    %dma_start3A_14 = arith.constant 0 : i32
    %dma_start3A_15 = arith.constant 0 : i32
    %dma_start3A_16 = tpu.memref_slice %arg9[%dma_start3A_13, %dma_start3A_14, %dma_start3A_15] : memref<4x128x32xf32, #tpu.memory_space<vmem>> -> memref<1x128x32xf32, #tpu.memory_space<vmem>>
    %dma_start3A_17 = tpu.memref_squeeze %dma_start3A_16 : memref<1x128x32xf32, #tpu.memory_space<vmem>> -> memref<128x32xf32, #tpu.memory_space<vmem>>
    %dma_start3A_18 = arith.constant 0 : i32
    %dma_start3A_19 = tpu.memref_slice %arg7[%dma_start3A_12, %dma_start3A_18] : memref<4x128xi32, #tpu.memory_space<vmem>> -> memref<1x128xi32, #tpu.memory_space<vmem>>
    %dma_start3A_20 = tpu.memref_squeeze %dma_start3A_19 : memref<1x128xi32, #tpu.memory_space<vmem>> -> memref<128xi32, #tpu.memory_space<vmem>>
    %dma_start3A_21 = arith.constant 0 : i32
    %dma_start3A_22 = arith.constant 0 : i32
    %dma_start3A_23 = tpu.memref_slice %arg4[%dma_start3A_21, %dma_start3A_22] : memref<1000000x32xf32, #tpu.memory_space<hbm>> -> memref<1000000x32xf32, #tpu.memory_space<hbm>>
    tpu.enqueue_indirect_dma source(%dma_start3A_23 : memref<1000000x32xf32, #tpu.memory_space<hbm>>) target(%dma_start3A_17 : memref<128x32xf32, #tpu.memory_space<vmem>>) offsets(%dma_start3A_20 : memref<128xi32, #tpu.memory_space<vmem>>) semaphore(%arg11 : memref<!tpu.dma_semaphore, #tpu.memory_space<semaphore_mem>>)
    %dma_start3A_24 = arith.constant 2 : i32
    %dma_start3A_25 = arith.constant 2 : i32
    %dma_start3A_26 = arith.constant 0 : i32
    %dma_start3A_27 = arith.constant 0 : i32
    %dma_start3A_28 = tpu.memref_slice %arg9[%dma_start3A_25, %dma_start3A_26, %dma_start3A_27] : memref<4x128x32xf32, #tpu.memory_space<vmem>> -> memref<1x128x32xf32, #tpu.memory_space<vmem>>
    %dma_start3A_29 = tpu.memref_squeeze %dma_start3A_28 : memref<1x128x32xf32, #tpu.memory_space<vmem>> -> memref<128x32xf32, #tpu.memory_space<vmem>>
    %dma_start3A_30 = arith.constant 0 : i32
    %dma_start3A_31 = tpu.memref_slice %arg7[%dma_start3A_24, %dma_start3A_30] : memref<4x128xi32, #tpu.memory_space<vmem>> -> memref<1x128xi32, #tpu.memory_space<vmem>>
    %dma_start3A_32 = tpu.memref_squeeze %dma_start3A_31 : memref<1x128xi32, #tpu.memory_space<vmem>> -> memref<128xi32, #tpu.memory_space<vmem>>
    %dma_start3A_33 = arith.constant 0 : i32
    %dma_start3A_34 = arith.constant 0 : i32
    %dma_start3A_35 = tpu.memref_slice %arg4[%dma_start3A_33, %dma_start3A_34] : memref<1000000x32xf32, #tpu.memory_space<hbm>> -> memref<1000000x32xf32, #tpu.memory_space<hbm>>
    tpu.enqueue_indirect_dma source(%dma_start3A_35 : memref<1000000x32xf32, #tpu.memory_space<hbm>>) target(%dma_start3A_29 : memref<128x32xf32, #tpu.memory_space<vmem>>) offsets(%dma_start3A_32 : memref<128xi32, #tpu.memory_space<vmem>>) semaphore(%arg11 : memref<!tpu.dma_semaphore, #tpu.memory_space<semaphore_mem>>)
    %dma_start3A_36 = arith.constant 3 : i32
    %dma_start3A_37 = arith.constant 3 : i32
    %dma_start3A_38 = arith.constant 0 : i32
    %dma_start3A_39 = arith.constant 0 : i32
    %dma_start3A_40 = tpu.memref_slice %arg9[%dma_start3A_37, %dma_start3A_38, %dma_start3A_39] : memref<4x128x32xf32, #tpu.memory_space<vmem>> -> memref<1x128x32xf32, #tpu.memory_space<vmem>>
    %dma_start3A_41 = tpu.memref_squeeze %dma_start3A_40 : memref<1x128x32xf32, #tpu.memory_space<vmem>> -> memref<128x32xf32, #tpu.memory_space<vmem>>
    %dma_start3A_42 = arith.constant 0 : i32
    %dma_start3A_43 = tpu.memref_slice %arg7[%dma_start3A_36, %dma_start3A_42] : memref<4x128xi32, #tpu.memory_space<vmem>> -> memref<1x128xi32, #tpu.memory_space<vmem>>
    %dma_start3A_44 = tpu.memref_squeeze %dma_start3A_43 : memref<1x128xi32, #tpu.memory_space<vmem>> -> memref<128xi32, #tpu.memory_space<vmem>>
    %dma_start3A_45 = arith.constant 0 : i32
    %dma_start3A_46 = arith.constant 0 : i32
    %dma_start3A_47 = tpu.memref_slice %arg4[%dma_start3A_45, %dma_start3A_46] : memref<1000000x32xf32, #tpu.memory_space<hbm>> -> memref<1000000x32xf32, #tpu.memory_space<hbm>>
    tpu.enqueue_indirect_dma source(%dma_start3A_47 : memref<1000000x32xf32, #tpu.memory_space<hbm>>) target(%dma_start3A_41 : memref<128x32xf32, #tpu.memory_space<vmem>>) offsets(%dma_start3A_44 : memref<128xi32, #tpu.memory_space<vmem>>) semaphore(%arg11 : memref<!tpu.dma_semaphore, #tpu.memory_space<semaphore_mem>>)
    %dma_start3A_48 = arith.constant 0 : i32
    %dma_start3A_49 = arith.constant 0 : i32
    %dma_start3A_50 = arith.constant 0 : i32
    %dma_start3A_51 = arith.constant 0 : i32
    %dma_start3A_52 = tpu.memref_slice %arg10[%dma_start3A_49, %dma_start3A_50, %dma_start3A_51] : memref<4x128x32xf32, #tpu.memory_space<vmem>> -> memref<1x128x32xf32, #tpu.memory_space<vmem>>
    %dma_start3A_53 = tpu.memref_squeeze %dma_start3A_52 : memref<1x128x32xf32, #tpu.memory_space<vmem>> -> memref<128x32xf32, #tpu.memory_space<vmem>>
    %dma_start3A_54 = arith.constant 0 : i32
    %dma_start3A_55 = tpu.memref_slice %arg8[%dma_start3A_48, %dma_start3A_54] : memref<4x128xi32, #tpu.memory_space<vmem>> -> memref<1x128xi32, #tpu.memory_space<vmem>>
    %dma_start3A_56 = tpu.memref_squeeze %dma_start3A_55 : memref<1x128xi32, #tpu.memory_space<vmem>> -> memref<128xi32, #tpu.memory_space<vmem>>
    %dma_start3A_57 = arith.constant 0 : i32
    %dma_start3A_58 = arith.constant 0 : i32
    %dma_start3A_59 = tpu.memref_slice %arg4[%dma_start3A_57, %dma_start3A_58] : memref<1000000x32xf32, #tpu.memory_space<hbm>> -> memref<1000000x32xf32, #tpu.memory_space<hbm>>
    tpu.enqueue_indirect_dma source(%dma_start3A_59 : memref<1000000x32xf32, #tpu.memory_space<hbm>>) target(%dma_start3A_53 : memref<128x32xf32, #tpu.memory_space<vmem>>) offsets(%dma_start3A_56 : memref<128xi32, #tpu.memory_space<vmem>>) semaphore(%arg11 : memref<!tpu.dma_semaphore, #tpu.memory_space<semaphore_mem>>)
    %dma_start3A_60 = arith.constant 1 : i32
    %dma_start3A_61 = arith.constant 1 : i32
    %dma_start3A_62 = arith.constant 0 : i32
    %dma_start3A_63 = arith.constant 0 : i32
    %dma_start3A_64 = tpu.memref_slice %arg10[%dma_start3A_61, %dma_start3A_62, %dma_start3A_63] : memref<4x128x32xf32, #tpu.memory_space<vmem>> -> memref<1x128x32xf32, #tpu.memory_space<vmem>>
    %dma_start3A_65 = tpu.memref_squeeze %dma_start3A_64 : memref<1x128x32xf32, #tpu.memory_space<vmem>> -> memref<128x32xf32, #tpu.memory_space<vmem>>
    %dma_start3A_66 = arith.constant 0 : i32
    %dma_start3A_67 = tpu.memref_slice %arg8[%dma_start3A_60, %dma_start3A_66] : memref<4x128xi32, #tpu.memory_space<vmem>> -> memref<1x128xi32, #tpu.memory_space<vmem>>
    %dma_start3A_68 = tpu.memref_squeeze %dma_start3A_67 : memref<1x128xi32, #tpu.memory_space<vmem>> -> memref<128xi32, #tpu.memory_space<vmem>>
    %dma_start3A_69 = arith.constant 0 : i32
    %dma_start3A_70 = arith.constant 0 : i32
    %dma_start3A_71 = tpu.memref_slice %arg4[%dma_start3A_69, %dma_start3A_70] : memref<1000000x32xf32, #tpu.memory_space<hbm>> -> memref<1000000x32xf32, #tpu.memory_space<hbm>>
    tpu.enqueue_indirect_dma source(%dma_start3A_71 : memref<1000000x32xf32, #tpu.memory_space<hbm>>) target(%dma_start3A_65 : memref<128x32xf32, #tpu.memory_space<vmem>>) offsets(%dma_start3A_68 : memref<128xi32, #tpu.memory_space<vmem>>) semaphore(%arg11 : memref<!tpu.dma_semaphore, #tpu.memory_space<semaphore_mem>>)
    %dma_start3A_72 = arith.constant 2 : i32
    %dma_start3A_73 = arith.constant 2 : i32
    %dma_start3A_74 = arith.constant 0 : i32
    %dma_start3A_75 = arith.constant 0 : i32
    %dma_start3A_76 = tpu.memref_slice %arg10[%dma_start3A_73, %dma_start3A_74, %dma_start3A_75] : memref<4x128x32xf32, #tpu.memory_space<vmem>> -> memref<1x128x32xf32, #tpu.memory_space<vmem>>
    %dma_start3A_77 = tpu.memref_squeeze %dma_start3A_76 : memref<1x128x32xf32, #tpu.memory_space<vmem>> -> memref<128x32xf32, #tpu.memory_space<vmem>>
    %dma_start3A_78 = arith.constant 0 : i32
    %dma_start3A_79 = tpu.memref_slice %arg8[%dma_start3A_72, %dma_start3A_78] : memref<4x128xi32, #tpu.memory_space<vmem>> -> memref<1x128xi32, #tpu.memory_space<vmem>>
    %dma_start3A_80 = tpu.memref_squeeze %dma_start3A_79 : memref<1x128xi32, #tpu.memory_space<vmem>> -> memref<128xi32, #tpu.memory_space<vmem>>
    %dma_start3A_81 = arith.constant 0 : i32
    %dma_start3A_82 = arith.constant 0 : i32
    %dma_start3A_83 = tpu.memref_slice %arg4[%dma_start3A_81, %dma_start3A_82] : memref<1000000x32xf32, #tpu.memory_space<hbm>> -> memref<1000000x32xf32, #tpu.memory_space<hbm>>
    tpu.enqueue_indirect_dma source(%dma_start3A_83 : memref<1000000x32xf32, #tpu.memory_space<hbm>>) target(%dma_start3A_77 : memref<128x32xf32, #tpu.memory_space<vmem>>) offsets(%dma_start3A_80 : memref<128xi32, #tpu.memory_space<vmem>>) semaphore(%arg11 : memref<!tpu.dma_semaphore, #tpu.memory_space<semaphore_mem>>)
    %dma_start3A_84 = arith.constant 3 : i32
    %dma_start3A_85 = arith.constant 3 : i32
    %dma_start3A_86 = arith.constant 0 : i32
    %dma_start3A_87 = arith.constant 0 : i32
    %dma_start3A_88 = tpu.memref_slice %arg10[%dma_start3A_85, %dma_start3A_86, %dma_start3A_87] : memref<4x128x32xf32, #tpu.memory_space<vmem>> -> memref<1x128x32xf32, #tpu.memory_space<vmem>>
    %dma_start3A_89 = tpu.memref_squeeze %dma_start3A_88 : memref<1x128x32xf32, #tpu.memory_space<vmem>> -> memref<128x32xf32, #tpu.memory_space<vmem>>
    %dma_start3A_90 = arith.constant 0 : i32
    %dma_start3A_91 = tpu.memref_slice %arg8[%dma_start3A_84, %dma_start3A_90] : memref<4x128xi32, #tpu.memory_space<vmem>> -> memref<1x128xi32, #tpu.memory_space<vmem>>
    %dma_start3A_92 = tpu.memref_squeeze %dma_start3A_91 : memref<1x128xi32, #tpu.memory_space<vmem>> -> memref<128xi32, #tpu.memory_space<vmem>>
    %dma_start3A_93 = arith.constant 0 : i32
    %dma_start3A_94 = arith.constant 0 : i32
    %dma_start3A_95 = tpu.memref_slice %arg4[%dma_start3A_93, %dma_start3A_94] : memref<1000000x32xf32, #tpu.memory_space<hbm>> -> memref<1000000x32xf32, #tpu.memory_space<hbm>>
    tpu.enqueue_indirect_dma source(%dma_start3A_95 : memref<1000000x32xf32, #tpu.memory_space<hbm>>) target(%dma_start3A_89 : memref<128x32xf32, #tpu.memory_space<vmem>>) offsets(%dma_start3A_92 : memref<128xi32, #tpu.memory_space<vmem>>) semaphore(%arg11 : memref<!tpu.dma_semaphore, #tpu.memory_space<semaphore_mem>>)
    %dma_wait3A = arith.constant 0 : i32
    %dma_wait3A_96 = arith.constant 0 : i32
    %dma_wait3A_97 = arith.constant 0 : i32
    %dma_wait3A_98 = arith.constant 0 : i32
    %dma_wait3A_99 = tpu.memref_slice %arg9[%dma_wait3A_96, %dma_wait3A_97, %dma_wait3A_98] : memref<4x128x32xf32, #tpu.memory_space<vmem>> -> memref<1x128x32xf32, #tpu.memory_space<vmem>>
    %dma_wait3A_100 = tpu.memref_squeeze %dma_wait3A_99 : memref<1x128x32xf32, #tpu.memory_space<vmem>> -> memref<128x32xf32, #tpu.memory_space<vmem>>
    %dma_wait3A_101 = arith.constant 0 : i32
    %dma_wait3A_102 = tpu.memref_slice %arg7[%dma_wait3A, %dma_wait3A_101] : memref<4x128xi32, #tpu.memory_space<vmem>> -> memref<1x128xi32, #tpu.memory_space<vmem>>
    %dma_wait3A_103 = tpu.memref_squeeze %dma_wait3A_102 : memref<1x128xi32, #tpu.memory_space<vmem>> -> memref<128xi32, #tpu.memory_space<vmem>>
    %dma_wait3A_104 = arith.constant 0 : i32
    %dma_wait3A_105 = arith.constant 0 : i32
    %dma_wait3A_106 = tpu.memref_slice %arg4[%dma_wait3A_104, %dma_wait3A_105] : memref<1000000x32xf32, #tpu.memory_space<hbm>> -> memref<1000000x32xf32, #tpu.memory_space<hbm>>
    tpu.wait_indirect_dma semaphore(%arg11 : memref<!tpu.dma_semaphore, #tpu.memory_space<semaphore_mem>>) src(%dma_wait3A_106 : memref<1000000x32xf32, #tpu.memory_space<hbm>>) dst(%dma_wait3A_100 : memref<128x32xf32, #tpu.memory_space<vmem>>)
    %dma_wait3A_107 = arith.constant 1 : i32
    %dma_wait3A_108 = arith.constant 1 : i32
    %dma_wait3A_109 = arith.constant 0 : i32
    %dma_wait3A_110 = arith.constant 0 : i32
    %dma_wait3A_111 = tpu.memref_slice %arg9[%dma_wait3A_108, %dma_wait3A_109, %dma_wait3A_110] : memref<4x128x32xf32, #tpu.memory_space<vmem>> -> memref<1x128x32xf32, #tpu.memory_space<vmem>>
    %dma_wait3A_112 = tpu.memref_squeeze %dma_wait3A_111 : memref<1x128x32xf32, #tpu.memory_space<vmem>> -> memref<128x32xf32, #tpu.memory_space<vmem>>
    %dma_wait3A_113 = arith.constant 0 : i32
    %dma_wait3A_114 = tpu.memref_slice %arg7[%dma_wait3A_107, %dma_wait3A_113] : memref<4x128xi32, #tpu.memory_space<vmem>> -> memref<1x128xi32, #tpu.memory_space<vmem>>
    %dma_wait3A_115 = tpu.memref_squeeze %dma_wait3A_114 : memref<1x128xi32, #tpu.memory_space<vmem>> -> memref<128xi32, #tpu.memory_space<vmem>>
    %dma_wait3A_116 = arith.constant 0 : i32
    %dma_wait3A_117 = arith.constant 0 : i32
    %dma_wait3A_118 = tpu.memref_slice %arg4[%dma_wait3A_116, %dma_wait3A_117] : memref<1000000x32xf32, #tpu.memory_space<hbm>> -> memref<1000000x32xf32, #tpu.memory_space<hbm>>
    tpu.wait_indirect_dma semaphore(%arg11 : memref<!tpu.dma_semaphore, #tpu.memory_space<semaphore_mem>>) src(%dma_wait3A_118 : memref<1000000x32xf32, #tpu.memory_space<hbm>>) dst(%dma_wait3A_112 : memref<128x32xf32, #tpu.memory_space<vmem>>)
    %dma_wait3A_119 = arith.constant 2 : i32
    %dma_wait3A_120 = arith.constant 2 : i32
    %dma_wait3A_121 = arith.constant 0 : i32
    %dma_wait3A_122 = arith.constant 0 : i32
    %dma_wait3A_123 = tpu.memref_slice %arg9[%dma_wait3A_120, %dma_wait3A_121, %dma_wait3A_122] : memref<4x128x32xf32, #tpu.memory_space<vmem>> -> memref<1x128x32xf32, #tpu.memory_space<vmem>>
    %dma_wait3A_124 = tpu.memref_squeeze %dma_wait3A_123 : memref<1x128x32xf32, #tpu.memory_space<vmem>> -> memref<128x32xf32, #tpu.memory_space<vmem>>
    %dma_wait3A_125 = arith.constant 0 : i32
    %dma_wait3A_126 = tpu.memref_slice %arg7[%dma_wait3A_119, %dma_wait3A_125] : memref<4x128xi32, #tpu.memory_space<vmem>> -> memref<1x128xi32, #tpu.memory_space<vmem>>
    %dma_wait3A_127 = tpu.memref_squeeze %dma_wait3A_126 : memref<1x128xi32, #tpu.memory_space<vmem>> -> memref<128xi32, #tpu.memory_space<vmem>>
    %dma_wait3A_128 = arith.constant 0 : i32
    %dma_wait3A_129 = arith.constant 0 : i32
    %dma_wait3A_130 = tpu.memref_slice %arg4[%dma_wait3A_128, %dma_wait3A_129] : memref<1000000x32xf32, #tpu.memory_space<hbm>> -> memref<1000000x32xf32, #tpu.memory_space<hbm>>
    tpu.wait_indirect_dma semaphore(%arg11 : memref<!tpu.dma_semaphore, #tpu.memory_space<semaphore_mem>>) src(%dma_wait3A_130 : memref<1000000x32xf32, #tpu.memory_space<hbm>>) dst(%dma_wait3A_124 : memref<128x32xf32, #tpu.memory_space<vmem>>)
    %dma_wait3A_131 = arith.constant 3 : i32
    %dma_wait3A_132 = arith.constant 3 : i32
    %dma_wait3A_133 = arith.constant 0 : i32
    %dma_wait3A_134 = arith.constant 0 : i32
    %dma_wait3A_135 = tpu.memref_slice %arg9[%dma_wait3A_132, %dma_wait3A_133, %dma_wait3A_134] : memref<4x128x32xf32, #tpu.memory_space<vmem>> -> memref<1x128x32xf32, #tpu.memory_space<vmem>>
    %dma_wait3A_136 = tpu.memref_squeeze %dma_wait3A_135 : memref<1x128x32xf32, #tpu.memory_space<vmem>> -> memref<128x32xf32, #tpu.memory_space<vmem>>
    %dma_wait3A_137 = arith.constant 0 : i32
    %dma_wait3A_138 = tpu.memref_slice %arg7[%dma_wait3A_131, %dma_wait3A_137] : memref<4x128xi32, #tpu.memory_space<vmem>> -> memref<1x128xi32, #tpu.memory_space<vmem>>
    %dma_wait3A_139 = tpu.memref_squeeze %dma_wait3A_138 : memref<1x128xi32, #tpu.memory_space<vmem>> -> memref<128xi32, #tpu.memory_space<vmem>>
    %dma_wait3A_140 = arith.constant 0 : i32
    %dma_wait3A_141 = arith.constant 0 : i32
    %dma_wait3A_142 = tpu.memref_slice %arg4[%dma_wait3A_140, %dma_wait3A_141] : memref<1000000x32xf32, #tpu.memory_space<hbm>> -> memref<1000000x32xf32, #tpu.memory_space<hbm>>
    tpu.wait_indirect_dma semaphore(%arg11 : memref<!tpu.dma_semaphore, #tpu.memory_space<semaphore_mem>>) src(%dma_wait3A_142 : memref<1000000x32xf32, #tpu.memory_space<hbm>>) dst(%dma_wait3A_136 : memref<128x32xf32, #tpu.memory_space<vmem>>)
    %dma_wait3A_143 = arith.constant 0 : i32
    %dma_wait3A_144 = arith.constant 0 : i32
    %dma_wait3A_145 = arith.constant 0 : i32
    %dma_wait3A_146 = arith.constant 0 : i32
    %dma_wait3A_147 = tpu.memref_slice %arg10[%dma_wait3A_144, %dma_wait3A_145, %dma_wait3A_146] : memref<4x128x32xf32, #tpu.memory_space<vmem>> -> memref<1x128x32xf32, #tpu.memory_space<vmem>>
    %dma_wait3A_148 = tpu.memref_squeeze %dma_wait3A_147 : memref<1x128x32xf32, #tpu.memory_space<vmem>> -> memref<128x32xf32, #tpu.memory_space<vmem>>
    %dma_wait3A_149 = arith.constant 0 : i32
    %dma_wait3A_150 = tpu.memref_slice %arg8[%dma_wait3A_143, %dma_wait3A_149] : memref<4x128xi32, #tpu.memory_space<vmem>> -> memref<1x128xi32, #tpu.memory_space<vmem>>
    %dma_wait3A_151 = tpu.memref_squeeze %dma_wait3A_150 : memref<1x128xi32, #tpu.memory_space<vmem>> -> memref<128xi32, #tpu.memory_space<vmem>>
    %dma_wait3A_152 = arith.constant 0 : i32
    %dma_wait3A_153 = arith.constant 0 : i32
    %dma_wait3A_154 = tpu.memref_slice %arg4[%dma_wait3A_152, %dma_wait3A_153] : memref<1000000x32xf32, #tpu.memory_space<hbm>> -> memref<1000000x32xf32, #tpu.memory_space<hbm>>
    tpu.wait_indirect_dma semaphore(%arg11 : memref<!tpu.dma_semaphore, #tpu.memory_space<semaphore_mem>>) src(%dma_wait3A_154 : memref<1000000x32xf32, #tpu.memory_space<hbm>>) dst(%dma_wait3A_148 : memref<128x32xf32, #tpu.memory_space<vmem>>)
    %dma_wait3A_155 = arith.constant 1 : i32
    %dma_wait3A_156 = arith.constant 1 : i32
    %dma_wait3A_157 = arith.constant 0 : i32
    %dma_wait3A_158 = arith.constant 0 : i32
    %dma_wait3A_159 = tpu.memref_slice %arg10[%dma_wait3A_156, %dma_wait3A_157, %dma_wait3A_158] : memref<4x128x32xf32, #tpu.memory_space<vmem>> -> memref<1x128x32xf32, #tpu.memory_space<vmem>>
    %dma_wait3A_160 = tpu.memref_squeeze %dma_wait3A_159 : memref<1x128x32xf32, #tpu.memory_space<vmem>> -> memref<128x32xf32, #tpu.memory_space<vmem>>
    %dma_wait3A_161 = arith.constant 0 : i32
    %dma_wait3A_162 = tpu.memref_slice %arg8[%dma_wait3A_155, %dma_wait3A_161] : memref<4x128xi32, #tpu.memory_space<vmem>> -> memref<1x128xi32, #tpu.memory_space<vmem>>
    %dma_wait3A_163 = tpu.memref_squeeze %dma_wait3A_162 : memref<1x128xi32, #tpu.memory_space<vmem>> -> memref<128xi32, #tpu.memory_space<vmem>>
    %dma_wait3A_164 = arith.constant 0 : i32
    %dma_wait3A_165 = arith.constant 0 : i32
    %dma_wait3A_166 = tpu.memref_slice %arg4[%dma_wait3A_164, %dma_wait3A_165] : memref<1000000x32xf32, #tpu.memory_space<hbm>> -> memref<1000000x32xf32, #tpu.memory_space<hbm>>
    tpu.wait_indirect_dma semaphore(%arg11 : memref<!tpu.dma_semaphore, #tpu.memory_space<semaphore_mem>>) src(%dma_wait3A_166 : memref<1000000x32xf32, #tpu.memory_space<hbm>>) dst(%dma_wait3A_160 : memref<128x32xf32, #tpu.memory_space<vmem>>)
    %dma_wait3A_167 = arith.constant 2 : i32
    %dma_wait3A_168 = arith.constant 2 : i32
    %dma_wait3A_169 = arith.constant 0 : i32
    %dma_wait3A_170 = arith.constant 0 : i32
    %dma_wait3A_171 = tpu.memref_slice %arg10[%dma_wait3A_168, %dma_wait3A_169, %dma_wait3A_170] : memref<4x128x32xf32, #tpu.memory_space<vmem>> -> memref<1x128x32xf32, #tpu.memory_space<vmem>>
    %dma_wait3A_172 = tpu.memref_squeeze %dma_wait3A_171 : memref<1x128x32xf32, #tpu.memory_space<vmem>> -> memref<128x32xf32, #tpu.memory_space<vmem>>
    %dma_wait3A_173 = arith.constant 0 : i32
    %dma_wait3A_174 = tpu.memref_slice %arg8[%dma_wait3A_167, %dma_wait3A_173] : memref<4x128xi32, #tpu.memory_space<vmem>> -> memref<1x128xi32, #tpu.memory_space<vmem>>
    %dma_wait3A_175 = tpu.memref_squeeze %dma_wait3A_174 : memref<1x128xi32, #tpu.memory_space<vmem>> -> memref<128xi32, #tpu.memory_space<vmem>>
    %dma_wait3A_176 = arith.constant 0 : i32
    %dma_wait3A_177 = arith.constant 0 : i32
    %dma_wait3A_178 = tpu.memref_slice %arg4[%dma_wait3A_176, %dma_wait3A_177] : memref<1000000x32xf32, #tpu.memory_space<hbm>> -> memref<1000000x32xf32, #tpu.memory_space<hbm>>
    tpu.wait_indirect_dma semaphore(%arg11 : memref<!tpu.dma_semaphore, #tpu.memory_space<semaphore_mem>>) src(%dma_wait3A_178 : memref<1000000x32xf32, #tpu.memory_space<hbm>>) dst(%dma_wait3A_172 : memref<128x32xf32, #tpu.memory_space<vmem>>)
    %dma_wait3A_179 = arith.constant 3 : i32
    %dma_wait3A_180 = arith.constant 3 : i32
    %dma_wait3A_181 = arith.constant 0 : i32
    %dma_wait3A_182 = arith.constant 0 : i32
    %dma_wait3A_183 = tpu.memref_slice %arg10[%dma_wait3A_180, %dma_wait3A_181, %dma_wait3A_182] : memref<4x128x32xf32, #tpu.memory_space<vmem>> -> memref<1x128x32xf32, #tpu.memory_space<vmem>>
    %dma_wait3A_184 = tpu.memref_squeeze %dma_wait3A_183 : memref<1x128x32xf32, #tpu.memory_space<vmem>> -> memref<128x32xf32, #tpu.memory_space<vmem>>
    %dma_wait3A_185 = arith.constant 0 : i32
    %dma_wait3A_186 = tpu.memref_slice %arg8[%dma_wait3A_179, %dma_wait3A_185] : memref<4x128xi32, #tpu.memory_space<vmem>> -> memref<1x128xi32, #tpu.memory_space<vmem>>
    %dma_wait3A_187 = tpu.memref_squeeze %dma_wait3A_186 : memref<1x128xi32, #tpu.memory_space<vmem>> -> memref<128xi32, #tpu.memory_space<vmem>>
    %dma_wait3A_188 = arith.constant 0 : i32
    %dma_wait3A_189 = arith.constant 0 : i32
    %dma_wait3A_190 = tpu.memref_slice %arg4[%dma_wait3A_188, %dma_wait3A_189] : memref<1000000x32xf32, #tpu.memory_space<hbm>> -> memref<1000000x32xf32, #tpu.memory_space<hbm>>
    tpu.wait_indirect_dma semaphore(%arg11 : memref<!tpu.dma_semaphore, #tpu.memory_space<semaphore_mem>>) src(%dma_wait3A_190 : memref<1000000x32xf32, #tpu.memory_space<hbm>>) dst(%dma_wait3A_184 : memref<128x32xf32, #tpu.memory_space<vmem>>)
    "tpu.region"() ({
      %run_scoped3A = tpu.sem_alloc : memref<!tpu.dma_semaphore, #tpu.memory_space<semaphore_mem>>
      %dma_start3A_191 = arith.constant 0 : i32
      %dma_start3A_192 = arith.constant 0 : i32
      %dma_start3A_193 = arith.constant 0 : i32
      %dma_start3A_194 = tpu.memref_slice %arg5[%add3A, %dma_start3A_191, %dma_start3A_192, %dma_start3A_193] : memref<32x4x128x32xf32, #tpu.memory_space<hbm>> -> memref<1x4x128x32xf32, #tpu.memory_space<hbm>>
      %dma_start3A_195 = tpu.memref_squeeze %dma_start3A_194 : memref<1x4x128x32xf32, #tpu.memory_space<hbm>> -> memref<4x128x32xf32, #tpu.memory_space<hbm>>
      %dma_start3A_196 = arith.constant 0 : i32
      %dma_start3A_197 = arith.constant 0 : i32
      %dma_start3A_198 = arith.constant 0 : i32
      %dma_start3A_199 = tpu.memref_slice %arg5[%add3A, %dma_start3A_196, %dma_start3A_197, %dma_start3A_198] : memref<32x4x128x32xf32, #tpu.memory_space<hbm>> -> memref<1x4x128x32xf32, #tpu.memory_space<hbm>>
      %dma_start3A_200 = tpu.memref_squeeze %dma_start3A_199 : memref<1x4x128x32xf32, #tpu.memory_space<hbm>> -> memref<4x128x32xf32, #tpu.memory_space<hbm>>
      tpu.enqueue_dma source(%arg9 : memref<4x128x32xf32, #tpu.memory_space<vmem>>) target(%dma_start3A_200 : memref<4x128x32xf32, #tpu.memory_space<hbm>>) target_semaphore(%run_scoped3A : memref<!tpu.dma_semaphore, #tpu.memory_space<semaphore_mem>>)
      %dma_wait3A_201 = arith.constant 0 : i32
      %dma_wait3A_202 = arith.constant 0 : i32
      %dma_wait3A_203 = arith.constant 0 : i32
      %dma_wait3A_204 = tpu.memref_slice %arg5[%add3A, %dma_wait3A_201, %dma_wait3A_202, %dma_wait3A_203] : memref<32x4x128x32xf32, #tpu.memory_space<hbm>> -> memref<1x4x128x32xf32, #tpu.memory_space<hbm>>
      %dma_wait3A_205 = tpu.memref_squeeze %dma_wait3A_204 : memref<1x4x128x32xf32, #tpu.memory_space<hbm>> -> memref<4x128x32xf32, #tpu.memory_space<hbm>>
      %dma_wait3A_206 = arith.constant 0 : i32
      %dma_wait3A_207 = arith.constant 0 : i32
      %dma_wait3A_208 = arith.constant 0 : i32
      %dma_wait3A_209 = tpu.memref_slice %arg5[%add3A, %dma_wait3A_206, %dma_wait3A_207, %dma_wait3A_208] : memref<32x4x128x32xf32, #tpu.memory_space<hbm>> -> memref<1x4x128x32xf32, #tpu.memory_space<hbm>>
      %dma_wait3A_210 = tpu.memref_squeeze %dma_wait3A_209 : memref<1x4x128x32xf32, #tpu.memory_space<hbm>> -> memref<4x128x32xf32, #tpu.memory_space<hbm>>
      tpu.wait_dma2 semaphore(%run_scoped3A : memref<!tpu.dma_semaphore, #tpu.memory_space<semaphore_mem>>) src(%arg9 : memref<4x128x32xf32, #tpu.memory_space<vmem>>) dst(%dma_wait3A_210 : memref<4x128x32xf32, #tpu.memory_space<hbm>>)
      tpu.yield
    }) : () -> ()
    "tpu.region"() ({
      %run_scoped3A = tpu.sem_alloc : memref<!tpu.dma_semaphore, #tpu.memory_space<semaphore_mem>>
      %dma_start3A_191 = arith.constant 0 : i32
      %dma_start3A_192 = arith.constant 0 : i32
      %dma_start3A_193 = arith.constant 0 : i32
      %dma_start3A_194 = tpu.memref_slice %arg6[%add3A, %dma_start3A_191, %dma_start3A_192, %dma_start3A_193] : memref<32x4x128x32xf32, #tpu.memory_space<hbm>> -> memref<1x4x128x32xf32, #tpu.memory_space<hbm>>
      %dma_start3A_195 = tpu.memref_squeeze %dma_start3A_194 : memref<1x4x128x32xf32, #tpu.memory_space<hbm>> -> memref<4x128x32xf32, #tpu.memory_space<hbm>>
      %dma_start3A_196 = arith.constant 0 : i32
      %dma_start3A_197 = arith.constant 0 : i32
      %dma_start3A_198 = arith.constant 0 : i32
      %dma_start3A_199 = tpu.memref_slice %arg6[%add3A, %dma_start3A_196, %dma_start3A_197, %dma_start3A_198] : memref<32x4x128x32xf32, #tpu.memory_space<hbm>> -> memref<1x4x128x32xf32, #tpu.memory_space<hbm>>
      %dma_start3A_200 = tpu.memref_squeeze %dma_start3A_199 : memref<1x4x128x32xf32, #tpu.memory_space<hbm>> -> memref<4x128x32xf32, #tpu.memory_space<hbm>>
      tpu.enqueue_dma source(%arg10 : memref<4x128x32xf32, #tpu.memory_space<vmem>>) target(%dma_start3A_200 : memref<4x128x32xf32, #tpu.memory_space<hbm>>) target_semaphore(%run_scoped3A : memref<!tpu.dma_semaphore, #tpu.memory_space<semaphore_mem>>)
      %dma_wait3A_201 = arith.constant 0 : i32
      %dma_wait3A_202 = arith.constant 0 : i32
      %dma_wait3A_203 = arith.constant 0 : i32
      %dma_wait3A_204 = tpu.memref_slice %arg6[%add3A, %dma_wait3A_201, %dma_wait3A_202, %dma_wait3A_203] : memref<32x4x128x32xf32, #tpu.memory_space<hbm>> -> memref<1x4x128x32xf32, #tpu.memory_space<hbm>>
      %dma_wait3A_205 = tpu.memref_squeeze %dma_wait3A_204 : memref<1x4x128x32xf32, #tpu.memory_space<hbm>> -> memref<4x128x32xf32, #tpu.memory_space<hbm>>
      %dma_wait3A_206 = arith.constant 0 : i32
      %dma_wait3A_207 = arith.constant 0 : i32
      %dma_wait3A_208 = arith.constant 0 : i32
      %dma_wait3A_209 = tpu.memref_slice %arg6[%add3A, %dma_wait3A_206, %dma_wait3A_207, %dma_wait3A_208] : memref<32x4x128x32xf32, #tpu.memory_space<hbm>> -> memref<1x4x128x32xf32, #tpu.memory_space<hbm>>
      %dma_wait3A_210 = tpu.memref_squeeze %dma_wait3A_209 : memref<1x4x128x32xf32, #tpu.memory_space<hbm>> -> memref<4x128x32xf32, #tpu.memory_space<hbm>>
      tpu.wait_dma2 semaphore(%run_scoped3A : memref<!tpu.dma_semaphore, #tpu.memory_space<semaphore_mem>>) src(%arg10 : memref<4x128x32xf32, #tpu.memory_space<vmem>>) dst(%dma_wait3A_210 : memref<4x128x32xf32, #tpu.memory_space<hbm>>)
      tpu.yield
    }) : () -> ()
    return
  }
}

</mosaic_0001>

<sc_bundles>
// kernel: kernel.4.cloned.1.call-start
scs
__scs_entry_jumppad:
0x0: {  	(pc) =	sbr.rel $0x88, $3  }
0x1: {  	(tag) =	ssettag $0x0;
	lr =	simm.s32 $0x1  }
0x2: {  	[smem:$0x3F9C] =	sst lr;
	_ =	strace $0xD0000000  }
0x3: {  	_ = 	snop  }
0x4: {  	_ = 	snop  }
0x5: {  	_ = 	snop  }
0x6: {  	_ = 	snop  }
0x7: {  	_ = 	snop  }
__scs_overlays_trampoline_lowered:
0x8: {  	[smem:$0x3FAB] =	sst s0  }
0x9: {  	[smem:$0x3FAC] =	sst s1  }
0xa: {  	[smem:$0x3FAD] =	sst s2  }
0xb: {  	[smem:$0x3FAE] =	sst s3  }
0xc: {  	[smem:$0x3FAF] =	sst s4  }
0xd: {  	[smem:$0x3FB0] =	sst s5  }
0xe: {  	[smem:$0x3FB1] =	sst s6  }
0xf: {  	[smem:$0x3FB2] =	sst s7  }
0x10: {  	[smem:$0x3FB3] =	sst s8  }
0x11: {  	[smem:$0x3FB4] =	sst s9;
	s0 =	simm.s32 @!p0 $0x0  }
0x12: {  	s1 =	sld [smem:$0x3F9A];
	s0 =	simm.s32 @p0 $0x1  }
0x13: {  	[smem:$0x3FB5] =	sst s0;
	s0 =	simm.s32 @!p1 $0x0  }
0x14: {  	s2 =	sld [smem:$0x3F99];
	s0 =	simm.s32 @p1 $0x1  }
0x15: {  	[smem:$0x3FB6] =	sst s0;
	s0 =	simm.s32 @!p2 $0x0  }
0x16: {  	s3 =	sld [smem:$0x3FDB];
	s0 =	simm.s32 @p2 $0x1  }
0x17: {  	s4 =	simm.s32 $0x1BF5;
	[smem:$0x3FB8] =	sst s0  }
0x18: {  	s0 =	sld [smem:$0x3F9B];
	_ =	swait.ge [sflag:s4], $0x0  }
0x19: {  	s7 =	sld [smem:$0x3F9C]  }
0x1a: {  	s8 =	sadd.s32 $0xFFFFE003, lr  }
0x1b: {  	s9 =	sadd.s32 $0xFFFFFEF7, lr;
	s5 =	simm.s32 $0xFFFFFFFF;
	p2 =	slt.u32 s8, $0xFFFFF086  }
0x1c: {  	p1 =	slt.u32 s9, $0xF7A;
	s5 =	simm.s32 @!p2 $0x0  }
0x1d: {  	s5 =	simm.s32 @p1 $0x1;
	p0 =	seq.s32 s7, s2  }
0x1e: {  	s7 =	smul.u32 @!p0 $0xF7A, s2;
	p2 =	seq.s32 @!p0 s5, $0x0  }
0x1f: {  	s9 =	smul.u32 $0xF7A, s1;
	s8 =	simm.s32 @!p0 $0x1BF5;
	p2 =	por !p2, p0  }
0x20: {  	[sflag:s8] =	ssyncset.s32 @!p0 $0xFFFFF086;
	s6 =	sadd.s32 @!p0 s3, s7;
	s7 =	simm.s32 @!p0 $0x108  }
0x21: {  	s3 =	sadd.s32 s3, s9;
	s6 =	sadd.s32 @!p0 $0x88, s6;
	s7 =	simm.s32 @p2 $0x1082  }
0x22: {  	[simem:s7], [sflag:s8] =	dma.local @!p0 [hbm:s6], $0xF7A  }
0x23: {  	s9 =	sor.u32 $0xD0000000, s2;
	s6 =	simm.s32 $0x108;
	_ =	swait.ge @!p0 [sflag:s8], $0x0  }
0x24: {  	s3 =	sadd.s32 $0x88, s3;
	s6 =	simm.s32 @!p1 $0x1082;
	[sflag:s4] =	ssyncset.s32 $0xFFFFF086  }
0x25: {  	[simem:s6], [sflag:s4] =	dma.local [hbm:s3], $0xF7A  }
0x26: {  	[smem:$0x3F9C] =	sst s1;
	(tag) =	ssettag s2;
	_ =	strace s9  }
0x27: {  	s1 =	sld [smem:$0x3FAC]  }
0x28: {  	s2 =	sld [smem:$0x3FAD]  }
0x29: {  	s4 =	sld [smem:$0x3FAF]  }
0x2a: {  	p0 =	seq.s32 s5, $0x0;
	s5 =	sld [smem:$0x3FB0]  }
0x2b: {  	s6 =	sld [smem:$0x3FB1]  }
0x2c: {  	s7 =	sld [smem:$0x3FB2]  }
0x2d: {  	s3 =	simm.s32 $0x108;
	s8 =	sld [smem:$0x3FB3]  }
0x2e: {  	s3 =	simm.s32 @!p0 $0x1082;
	s9 =	sld [smem:$0x3FB4]  }
0x2f: {  	lr =	sadd.s32 s0, s3;
	s0 =	sld [smem:$0x3FAB]  }
0x30: {  	s3 =	sld [smem:$0x3FAE]  }
0x31: {  	[smem:$0x3FB7] =	sst s10  }
0x32: {  	s10 =	sld [smem:$0x3FB5];
	_ =	sdelay $0x3  }
0x33: {  	p0 =	seq.s32 s10, $0x1;
	s10 =	sld [smem:$0x3FB7];
	_ =	sdelay $0x3  }
0x34: {  	[smem:$0x3FB7] =	sst s10  }
0x35: {  	s10 =	sld [smem:$0x3FB6];
	_ =	sdelay $0x3  }
0x36: {  	p1 =	seq.s32 s10, $0x1;
	s10 =	sld [smem:$0x3FB7];
	_ =	sdelay $0x3  }
0x37: {  	[smem:$0x3FB7] =	sst s10  }
0x38: {  	s10 =	sld [smem:$0x3FB8]  }
0x39: {  	_ = 	snop;
	(pc) =	sbr.ind lr, $3  }
0x3a: {  	_ = 	snop  }
0x3b: {  	_ = 	snop  }
0x3c: {  	p2 =	seq.s32 s10, $0x1;
	s10 =	sld [smem:$0x3FB7]  }
0x3d: {  	_ =	shalt  }
0x3e: {  	_ =	shalt  }
0x3f: {  	_ =	shalt  }
0x40: {  	_ =	shalt  }
0x41: {  	_ =	shalt  }
0x42: {  	_ =	shalt  }
0x43: {  	_ =	shalt  }
0x44: {  	_ =	shalt  }
0x45: {  	_ =	shalt  }
0x46: {  	_ =	shalt  }
0x47: {  	_ =	shalt  }
0x48: {  	_ =	shalt  }
0x49: {  	_ =	shalt  }
0x4a: {  	_ =	shalt  }
0x4b: {  	_ =	shalt  }
0x4c: {  	_ =	shalt  }
0x4d: {  	_ =	shalt  }
0x4e: {  	_ =	shalt  }
0x4f: {  	_ =	shalt  }
0x50: {  	_ =	shalt  }
0x51: {  	_ =	shalt  }
0x52: {  	_ =	shalt  }
0x53: {  	_ =	shalt  }
0x54: {  	_ =	shalt  }
0x55: {  	_ =	shalt  }
0x56: {  	_ =	shalt  }
0x57: {  	_ =	shalt  }
0x58: {  	_ =	shalt  }
0x59: {  	_ =	shalt  }
0x5a: {  	_ =	shalt  }
0x5b: {  	_ =	shalt  }
0x5c: {  	_ =	shalt  }
0x5d: {  	_ =	shalt  }
0x5e: {  	_ =	shalt  }
0x5f: {  	_ =	shalt  }
0x60: {  	_ =	shalt  }
0x61: {  	_ =	shalt  }
0x62: {  	_ =	shalt  }
0x63: {  	_ =	shalt  }
0x64: {  	_ =	shalt  }
0x65: {  	_ =	shalt  }
0x66: {  	_ =	shalt  }
0x67: {  	_ =	shalt  }
0x68: {  	_ =	shalt  }
0x69: {  	_ =	shalt  }
0x6a: {  	_ =	shalt  }
0x6b: {  	_ =	shalt  }
0x6c: {  	_ =	shalt  }
0x6d: {  	_ =	shalt  }
0x6e: {  	_ =	shalt  }
0x6f: {  	_ =	shalt  }
0x70: {  	_ =	shalt  }
0x71: {  	_ =	shalt  }
0x72: {  	_ =	shalt  }
0x73: {  	_ =	shalt  }
0x74: {  	_ =	shalt  }
0x75: {  	_ =	shalt  }
0x76: {  	_ =	shalt  }
0x77: {  	_ =	shalt  }
0x78: {  	_ =	shalt  }
0x79: {  	_ =	shalt  }
0x7a: {  	_ =	shalt  }
0x7b: {  	_ =	shalt  }
0x7c: {  	_ =	shalt  }
0x7d: {  	_ =	shalt  }
0x7e: {  	_ =	shalt  }
0x7f: {  	_ =	shalt  }
0x80: {  	_ =	shalt  }
0x81: {  	_ =	shalt  }
0x82: {  	_ =	shalt  }
0x83: {  	_ =	shalt  }
0x84: {  	_ =	shalt  }
0x85: {  	_ =	shalt  }
0x86: {  	_ =	shalt  }
0x87: {  	_ =	shalt  }
.Lfunc_end0:
.L_simem_size_0:
called_computation_lowered:
.L_overlay_start_0:
0x88: {  	s2 =	sld [smem:$0x3FD9]  }
0x89: {  	s3 =	sld [smem:$0x3FFE];
	_ =	sdelay $0x1  }
0x8a: {  	s1 =	srdreg.scid  }
0x8b: {  	s0 =	sand.u32 $0x1, s1  }
0x8c: {  	s15 =	sshll.u32 s0, $0xA;
	s2 =	sadd.s32 s3, s2  }
0x8d: {  	s2 =	sadd.s32 s2, s15  }
0x8e: {  	[smem:$0x3FC3] =	sst s2  }
0x8f: {  	_ = 	snop  }
0x90: {  	s4 =	sld [smem:$0x3FD0];
	_ =	sdelay $0x1  }
0x91: {  	s2 =	sld [smem:$0x3FC8]  }
0x92: {  	s6 =	simm.s32 $0xB;
	s5 =	simm.s32 $0x10;
	s16 =	sld [smem:$0x3FC7]  }
0x93: {  	[smem:s5], [sflag:s6] =	dma.local [hbm:s4], $0x1  }
0x94: {  	_ =	swait.eq [sflag:s6], $0x1  }
0x95: {  	[sflag:s6] =	ssyncset.done $0x0  }
0x96: {  	s17 =	sld [smem:$0x11];
	[sflag:s6] =	ssyncadd.s32 $0xFFFFFFFF  }
0x97: {  	s18 =	sld [smem:$0x12];
	(tm) =	ssettm $0x1  }
0x98: {  	s19 =	sld [smem:$0x3FFB];
	_ =	sdelay $0x3  }
0x99: {  	_ =	strace s19  }
0x9a: {  	s4 =	sld [smem:$0x3FFC];
	_ =	sdelay $0x3  }
0x9b: {  	_ =	strace s4  }
0x9c: {  	s4 =	sld [smem:$0x3FFD];
	_ =	sdelay $0x3  }
0x9d: {  	_ =	strace s4  }
0x9e: {  	_ =	strace $0x8FFFFFFF  }
0x9f: {  	s20 =	sld [smem:$0x3FDB];
	_ =	sdelay $0x1  }
0xa0: {  	s7 =	simm.s32 $_scs_section_size  }
0xa1: {  	s8 =	simm.s32 $_size__tile_overlayer_lowered;
	s9 =	simm.s32 $_tile_overlayer_lowered  }
0xa2: {  	s10 =	simm.s32 $0x1BFF;
	s21 =	sshll.u32 s9, $0x1;
	s7 =	sadd.s32 s7, s20  }
0xa3: {  	s22 =	simm.s32 $0x0;
	s8 =	sshll.u32 s8, $0x1;
	s9 =	sadd.s32 s21, s7  }
0xa4: {  	[timem:s22], [sflag:s10] =	dma.local [hbm:s9], s8  }
0xa5: {  	_ =	swait.ge [sflag:s10], s8  }
0xa6: {  	s8 =	ssub.s32 $0x0, s8;
	[sflag:s10] =	ssyncset.done $0x0  }
0xa7: {  	[sflag:s10] =	ssyncadd.s32 s8;
	_ =	sdelay $0x1  }
0xa8: {  	s23 =	simm.s32 $0x1B8B  }
0xa9: {  	_ =	swait.ge [sflag:s23], $0x1  }
0xaa: {  	[sflag:s23] =	ssyncset.done $0x0  }
0xab: {  	[sflag:s23] =	ssyncadd.s32 $0xFFFFFFFF  }
0xac: {  	s8 =	sld [smem:$0x0]  }
0xad: {  	s9 =	sand.u32 $0xFFFFFFFE, s1  }
0xae: {  	p0 =	sne.s32 s1, s9  }
0xaf: {  	s9 =	sshll.u32 @p0 s9, $0xE  }
0xb0: {  	s9 =	sadd.s32 @p0 $0x11B8D, s9;
	s10 =	sshll.u32 @p0 s8, $0x11  }
0xb1: {  	s9 =	sor.u32 @p0 s10, s9  }
0xb2: {  	[sflag:s9] =	ssyncadd.remote.s32 @p0 $0x1;
	_ =	sdelay $0x1  }
0xb3: {  	s9 =	simm.s32 @p0 $0x1B8D  }
0xb4: {  	_ =	swait.eq @p0 [sflag:s9], $0x1  }
0xb5: {  	[sflag:s9] =	ssyncadd.s32 @p0 $0xFFFFFFFF  }
0xb6: {  	s10 =	sshll.u32 @!p0 s1, $0xE  }
0xb7: {  	s10 =	sor.u32 @!p0 $0x4000, s10;
	s9 =	simm.s32 @!p0 $0x1B8D  }
0xb8: {  	s8 =	sshll.u32 @!p0 s8, $0x11;
	s10 =	sadd.s32 @!p0 $0x11B8D, s10;
	_ =	swait.eq @!p0 [sflag:s9], $0x1  }
0xb9: {  	s8 =	sor.u32 @!p0 s8, s10;
	[sflag:s9] =	ssyncadd.s32 @!p0 $0xFFFFFFFF  }
0xba: {  	s25 =	simm.s32 $0x1B8E;
	s24 =	sld [smem:$0x3FFE];
	[sflag:s8] =	ssyncadd.remote.s32 @!p0 $0x1  }
0xbb: {  	s26 =	simm.s32 $execute0_lowered;
	[smem:$0x3FD2] =	sst s25  }
0xbc: {  	s9 =	sshll.u32 s26, $0x1;
	_ =	strace $0x80000049;
	[dreg:$0x1] =	wrdreg $0xFFFFFFFF  }
0xbd: {  	s28 =	simm.s32 $_size_execute0_lowered;
	s7 =	sadd.s32 s7, s9;
	[dreg:$0x0] =	wrdreg $0x0  }
0xbe: {  	s9 =	sshll.u32 s28, $0x1;
	[dreg:$0x2] =	wrdreg s7  }
0xbf: {  	[dreg:$0x3] =	wrdreg s9  }
0xc0: {  	[dreg:$0x4] =	wrdreg $0xC0  }
0xc1: {  	_ =	task [dreg:s22], $0x5FFFF  }
0xc2: {  	[dreg:$0x1] =	wrdreg $0xFFFFFFFF  }
0xc3: {  	[dreg:$0x0] =	wrdreg $0x60  }
0xc4: {  	[dreg:$0x2] =	wrdreg s2  }
0xc5: {  	[dreg:$0x3] =	wrdreg s16  }
0xc6: {  	[dreg:$0x4] =	wrdreg s24  }
0xc7: {  	[dreg:$0x5] =	wrdreg s17  }
0xc8: {  	[dreg:$0x6] =	wrdreg s18  }
0xc9: {  	[dreg:$0x7] =	wrdreg $0x9  }
0xca: {  	_ =	task.clear_ibuf [dreg:s22], $0x8FFFF;
	_ =	strace $0x90000049  }
0xcb: {  	s29 =	simm.s32 $0x9;
	_ =	strace $0x8000004B  }
0xcc: {  	_ =	swait.ge [sflag:s29], $0x1  }
0xcd: {  	[sflag:s29] =	ssyncadd.s32 $0xFFFFFFFF  }
0xce: {  	_ =	strace $0x9000004B  }
0xcf: {  	_ =	sfence  }
0xd0: {  	s30 =	sld [smem:$0x0];
	_ =	sdelay $0x2  }
0xd1: {  	s31 =	sshll.u32 s1, $0xD;
	s1 =	sshrl.u32 s1, $0x2  }
0xd2: {  	s3 =	sand.u32 $0x4000, s31;
	s1 =	sadd.s32 s1, s30  }
0xd3: {  	s0 =	sor.u32 s3, s0;
	s1 =	sshll.u32 s1, $0x11  }
0xd4: {  	s0 =	sor.u32 s1, s0  }
0xd5: {  	s0 =	sadd.s32 $0x8F2B, s0  }
0xd6: {  	[sflag:s0] =	ssyncadd.remote.s32 $0x1  }
0xd7: {  	_ =	sfence.sel $0xFFFF  }
0xd8: {  	[dreg:$0x0] =	wrdreg $0xFFFFFFFF;
	(pc) =	sbr.abs _section_cstart, $3  }
0xd9: {  	[dreg:$0x1] =	wrdreg $0xFFFFFFFF  }
0xda: {  	_ =	task.clear_ibuf [dreg:s22], $0x2FFFF;
	_ =	strace $0x9FFFFFFF  }
0xdb: {  	(tm) =	ssettm $0x7FFFFFFF  }
tec
execute0_lowered:
.L_overlay_start_1:
0x0: {  	(tag) =	ssettag $0x1  }
0x1: {  	s3 =	rddreg [dreg:$0x0]  }
0x2: {  	s5 =	rddreg [dreg:$0x1]  }
0x3: {  	s7 =	rddreg [dreg:$0x2]  }
0x4: {  	s23 =	rddreg [dreg:$0x3]  }
0x5: {  	s1 =	srdreg.scid;
	s0 =	stileid.u32  }
0x6: {  	s24 =	rddreg [dreg:$0x4];
	s25 =	sand.u32 $0x1, s1;
	s4 =	sshll.u32 s0, $0x1  }
0x7: {  	s2 =	simm.s32 $0x0;
	s1 =	rddreg [dreg:$0x5];
	s26 =	sor.u32 s25, s4  }
0x8: {  	[smem:$0x7FF] =	sst s2;
	s6 =	sshll.u32 s26, $0x6  }
0x9: {  	_ =	strace $0x8000004A;
	s4 =	sadd.s32 s3, s6;
	s3 =	simm.s32 $0x2  }
0xa: {  	[tilespmem:s2], [sflag:$0x2] =	stream.linear.gather [hbm4b:s4+s2], $0x200, $0x38;
	[tilespmem:$0x8400] =	vst v63  }
0xb: {  	_ =	swait.ge [sflag:s3], $0x200  }
0xc: {  	[sflag:s3] =	ssyncset.done $0x0  }
0xd: {  	s5 =	sadd.s32 s5, s6;
	s6 =	simm.s32 $0x200;
	[sflag:s3] =	ssyncadd.s32 $0xFFFFFE00  }
0xe: {  	[tilespmem:s6], [sflag:$0x2] =	stream.linear.gather [hbm4b:s5+s2], $0x200, $0x38;
	[tilespmem:$0x8400] =	vst v63  }
0xf: {  	_ =	swait.ge [sflag:s3], $0x200  }
0x10: {  	s8 =	simm.s32 $0x80;
	[sflag:s3] =	ssyncset.done $0x0  }
0x11: {  	s9 =	simm.s32 $0x400;
	s7 =	sadd.s32 $0x1313C00, s7;
	[sflag:s3] =	ssyncadd.s32 $0xFFFFFE00  }
0x12: {  	[tilespmem:s9], [sflag:$0x1] =	stream.indirect.gather [hbm4b:s7+s8], $0x20, s2, s8, $0xb8;
	[tilespmem:$0x8400] =	vst v63  }
0x13: {  	s10 =	simm.s32 $0x1400  }
0x14: {  	[tilespmem:s10], [sflag:$0x1] =	stream.indirect.gather [hbm4b:s7+s8], $0x20, s8, s8, $0xb8;
	[tilespmem:$0x8400] =	vst v63  }
0x15: {  	s11 =	simm.s32 $0x100;
	s12 =	simm.s32 $0x2400  }
0x16: {  	[tilespmem:s12], [sflag:$0x1] =	stream.indirect.gather [hbm4b:s7+s8], $0x20, s11, s8, $0xb8;
	[tilespmem:$0x8400] =	vst v63  }
0x17: {  	s13 =	simm.s32 $0x180;
	s14 =	simm.s32 $0x3400  }
0x18: {  	[tilespmem:s14], [sflag:$0x1] =	stream.indirect.gather [hbm4b:s7+s8], $0x20, s13, s8, $0xb8;
	[tilespmem:$0x8400] =	vst v63  }
0x19: {  	s15 =	simm.s32 $0x4400  }
0x1a: {  	[tilespmem:s15], [sflag:$0x1] =	stream.indirect.gather [hbm4b:s7+s8], $0x20, s6, s8, $0xb8;
	[tilespmem:$0x8400] =	vst v63  }
0x1b: {  	s16 =	simm.s32 $0x280;
	s17 =	simm.s32 $0x5400  }
0x1c: {  	[tilespmem:s17], [sflag:$0x1] =	stream.indirect.gather [hbm4b:s7+s8], $0x20, s16, s8, $0xb8;
	[tilespmem:$0x8400] =	vst v63  }
0x1d: {  	s18 =	simm.s32 $0x300;
	s19 =	simm.s32 $0x6400  }
0x1e: {  	[tilespmem:s19], [sflag:$0x1] =	stream.indirect.gather [hbm4b:s7+s8], $0x20, s18, s8, $0xb8;
	[tilespmem:$0x8400] =	vst v63  }
0x1f: {  	s20 =	simm.s32 $0x380;
	s21 =	simm.s32 $0x7400;
	s22 =	simm.s32 $0x1  }
0x20: {  	[tilespmem:s21], [sflag:$0x1] =	stream.indirect.gather [hbm4b:s7+s8], $0x20, s20, s8, $0xb8;
	[tilespmem:$0x8400] =	vst v63  }
0x21: {  	_ =	swait.ge [sflag:s22], $0x1000  }
0x22: {  	[sflag:s22] =	ssyncset.done $0x0  }
0x23: {  	[sflag:s22] =	ssyncadd.s32 $0xFFFFF000  }
0x24: {  	_ =	swait.ge [sflag:s22], $0x1000  }
0x25: {  	[sflag:s22] =	ssyncset.done $0x0  }
0x26: {  	[sflag:s22] =	ssyncadd.s32 $0xFFFFF000  }
0x27: {  	_ =	swait.ge [sflag:s22], $0x1000  }
0x28: {  	[sflag:s22] =	ssyncset.done $0x0  }
0x29: {  	[sflag:s22] =	ssyncadd.s32 $0xFFFFF000  }
0x2a: {  	_ =	swait.ge [sflag:s22], $0x1000  }
0x2b: {  	[sflag:s22] =	ssyncset.done $0x0  }
0x2c: {  	[sflag:s22] =	ssyncadd.s32 $0xFFFFF000  }
0x2d: {  	_ =	swait.ge [sflag:s22], $0x1000  }
0x2e: {  	[sflag:s22] =	ssyncset.done $0x0  }
0x2f: {  	[sflag:s22] =	ssyncadd.s32 $0xFFFFF000  }
0x30: {  	_ =	swait.ge [sflag:s22], $0x1000  }
0x31: {  	[sflag:s22] =	ssyncset.done $0x0  }
0x32: {  	[sflag:s22] =	ssyncadd.s32 $0xFFFFF000  }
0x33: {  	_ =	swait.ge [sflag:s22], $0x1000  }
0x34: {  	[sflag:s22] =	ssyncset.done $0x0  }
0x35: {  	s25 =	ssub.s32 $0x2, s25;
	[sflag:s22] =	ssyncadd.s32 $0xFFFFF000  }
0x36: {  	s28 =	sshrl.u32 s25, $0x1;
	_ =	swait.ge [sflag:s22], $0x1000  }
0x37: {  	s26 =	sshll.u32 s26, $0xB;
	s25 =	ssub.s32 s25, s28;
	[sflag:s22] =	ssyncset.done $0x0  }
0x38: {  	s23 =	sadd.s32 s23, s26;
	s25 =	smax.u32 s25, $0x1;
	[sflag:s22] =	ssyncadd.s32 $0xFFFFF000  }
0x39: {  	[hbm4b:s23+s2] =	stream.linear.scatter [tilespmem:s9], [sflag:$0x2], $0x4000, $0x38;
	[tilespmem:$0x8400] =	vst v63  }
0x3a: {  	p0 =	sne.s32 s25, $0x1;
	_ =	swait.ge [sflag:s3], $0x4000  }
.Ltmp0:
0x3b: {  	[sflag:s3] =	ssyncset.done $0x0;
	(pc) =	sbr.rel @!p0 .LBB2_2-.Ltmp0, $4  }
0x3c: {  	s24 =	sadd.s32 s24, s26;
	[sflag:s3] =	ssyncadd.s32 $0xFFFFC000  }
0x3d: {  	[hbm4b:s24+s2] =	stream.linear.scatter [tilespmem:s15], [sflag:$0x2], $0x4000, $0x38;
	[tilespmem:$0x8400] =	vst v63  }
0x3e: {  	_ =	swait.ge [sflag:s3], $0x4000  }
0x3f: {  	s25 =	sadd.s32 $0xFFFFFFFF, s25;
	[sflag:s3] =	ssyncset.done $0x0  }
.LBB2_1:
0x40: {  	p0 =	sne.s32 s25, $0x1;
	s25 =	sadd.s32 $0xFFFFFFFF, s25;
	[sflag:s3] =	ssyncadd.s32 $0xFFFFC000  }
0x41: {  	[tilespmem:s2], [sflag:$0x2] =	stream.linear.gather [hbm4b:s4+s2], $0x200, $0x38;
	[tilespmem:$0x8400] =	vst v63  }
0x42: {  	_ =	swait.ge [sflag:s3], $0x200  }
0x43: {  	[sflag:s3] =	ssyncset.done $0x0  }
0x44: {  	[sflag:s3] =	ssyncadd.s32 $0xFFFFFE00  }
0x45: {  	[tilespmem:s6], [sflag:$0x2] =	stream.linear.gather [hbm4b:s5+s2], $0x200, $0x38;
	[tilespmem:$0x8400] =	vst v63  }
0x46: {  	_ =	swait.ge [sflag:s3], $0x200  }
0x47: {  	[sflag:s3] =	ssyncset.done $0x0  }
0x48: {  	[sflag:s3] =	ssyncadd.s32 $0xFFFFFE00  }
0x49: {  	[tilespmem:s9], [sflag:$0x1] =	stream.indirect.gather [hbm4b:s7+s8], $0x20, s2, s8, $0xb8;
	[tilespmem:$0x8400] =	vst v63  }
0x4a: {  	_ = 	snop  }
0x4b: {  	[tilespmem:s10], [sflag:$0x1] =	stream.indirect.gather [hbm4b:s7+s8], $0x20, s8, s8, $0xb8;
	[tilespmem:$0x8400] =	vst v63  }
0x4c: {  	_ = 	snop  }
0x4d: {  	[tilespmem:s12], [sflag:$0x1] =	stream.indirect.gather [hbm4b:s7+s8], $0x20, s11, s8, $0xb8;
	[tilespmem:$0x8400] =	vst v63  }
0x4e: {  	_ = 	snop  }
0x4f: {  	[tilespmem:s14], [sflag:$0x1] =	stream.indirect.gather [hbm4b:s7+s8], $0x20, s13, s8, $0xb8;
	[tilespmem:$0x8400] =	vst v63  }
0x50: {  	_ = 	snop  }
0x51: {  	[tilespmem:s15], [sflag:$0x1] =	stream.indirect.gather [hbm4b:s7+s8], $0x20, s6, s8, $0xb8;
	[tilespmem:$0x8400] =	vst v63  }
0x52: {  	_ = 	snop  }
0x53: {  	[tilespmem:s17], [sflag:$0x1] =	stream.indirect.gather [hbm4b:s7+s8], $0x20, s16, s8, $0xb8;
	[tilespmem:$0x8400] =	vst v63  }
0x54: {  	_ = 	snop  }
0x55: {  	[tilespmem:s19], [sflag:$0x1] =	stream.indirect.gather [hbm4b:s7+s8], $0x20, s18, s8, $0xb8;
	[tilespmem:$0x8400] =	vst v63  }
0x56: {  	_ = 	snop  }
0x57: {  	[tilespmem:s21], [sflag:$0x1] =	stream.indirect.gather [hbm4b:s7+s8], $0x20, s20, s8, $0xb8;
	[tilespmem:$0x8400] =	vst v63  }
0x58: {  	_ =	swait.ge [sflag:s22], $0x1000  }
0x59: {  	[sflag:s22] =	ssyncset.done $0x0  }
0x5a: {  	[sflag:s22] =	ssyncadd.s32 $0xFFFFF000  }
0x5b: {  	_ =	swait.ge [sflag:s22], $0x1000  }
0x5c: {  	[sflag:s22] =	ssyncset.done $0x0  }
0x5d: {  	[sflag:s22] =	ssyncadd.s32 $0xFFFFF000  }
0x5e: {  	_ =	swait.ge [sflag:s22], $0x1000  }
0x5f: {  	[sflag:s22] =	ssyncset.done $0x0  }
0x60: {  	[sflag:s22] =	ssyncadd.s32 $0xFFFFF000  }
0x61: {  	_ =	swait.ge [sflag:s22], $0x1000  }
0x62: {  	[sflag:s22] =	ssyncset.done $0x0  }
0x63: {  	[sflag:s22] =	ssyncadd.s32 $0xFFFFF000  }
0x64: {  	_ =	swait.ge [sflag:s22], $0x1000  }
0x65: {  	[sflag:s22] =	ssyncset.done $0x0  }
0x66: {  	[sflag:s22] =	ssyncadd.s32 $0xFFFFF000  }
0x67: {  	_ =	swait.ge [sflag:s22], $0x1000  }
0x68: {  	[sflag:s22] =	ssyncset.done $0x0  }
0x69: {  	[sflag:s22] =	ssyncadd.s32 $0xFFFFF000  }
0x6a: {  	_ =	swait.ge [sflag:s22], $0x1000  }
0x6b: {  	[sflag:s22] =	ssyncset.done $0x0  }
0x6c: {  	[sflag:s22] =	ssyncadd.s32 $0xFFFFF000  }
0x6d: {  	_ =	swait.ge [sflag:s22], $0x1000  }
0x6e: {  	[sflag:s22] =	ssyncset.done $0x0  }
0x6f: {  	[sflag:s22] =	ssyncadd.s32 $0xFFFFF000  }
0x70: {  	[hbm4b:s23+s2] =	stream.linear.scatter [tilespmem:s9], [sflag:$0x2], $0x4000, $0x38;
	[tilespmem:$0x8400] =	vst v63  }
0x71: {  	_ =	swait.ge [sflag:s3], $0x4000  }
.Ltmp1:
0x72: {  	[sflag:s3] =	ssyncset.done $0x0;
	(pc) =	sbr.rel @p0 .LBB2_1-.Ltmp1, $4  }
0x73: {  	[sflag:s3] =	ssyncadd.s32 $0xFFFFC000  }
0x74: {  	[hbm4b:s24+s2] =	stream.linear.scatter [tilespmem:s15], [sflag:$0x2], $0x4000, $0x38;
	[tilespmem:$0x8400] =	vst v63  }
0x75: {  	_ =	swait.ge [sflag:s3], $0x4000  }
0x76: {  	[sflag:s3] =	ssyncset.done $0x0  }
.LBB2_2:
0x77: {  	[sflag:s3] =	ssyncadd.s32 $0xFFFFC000  }
0x78: {  	_ =	sfence.sel $0x180000  }
0x79: {  	[bflag:$0x0] =	sbarrier.arrive $0xFFFF  }
0x7a: {  	p0 =	sne.s32 s0, $0x0;
	_ =	strace $0x9000004A  }
0x7b: {  	s0 =	sadd.s32 @!p0 $0x100000, s1;
	[bflag:$0x2] =	sbarrier.arrive $0xFFFF  }
0x7c: {  	[sflag:s0] =	ssyncadd.tile.s32 @!p0 $0x1;
	_ =	shalt  }
.Lfunc_end2:
_tile_overlayer_lowered:
.L_overlay_start_2:
0x7d: {  	(tag) =	ssettag $0x2  }
0x7e: {  	s0 =	rddreg [dreg:$0x0];
	s2 =	stileid.u32  }
0x7f: {  	s1 =	rddreg [dreg:$0x1];
	p0 =	sne.s32 s2, $0x0  }
0x80: {  	s3 =	rddreg [dreg:$0x2];
	[bflag:$0x3] =	sbarrier.arrive $0xFFFF;
	s2 =	simm.s32 @!p0 $0x1C02  }
0x81: {  	[timem:s3], [sflag:s2] =	dma.local @!p0 [hbm:s0], s1  }
0x82: {  	s0 =	simm.s32 @!p0 $0x2  }
0x83: {  	_ =	swait.ge @!p0 [sflag:s0], s1  }
0x84: {  	s1 =	ssub.s32 @!p0 $0x0, s1;
	[sflag:s0] =	ssyncset.done @!p0 $0x0  }
0x85: {  	[sflag:s0] =	ssyncadd.s32 @!p0 s1  }
0x86: {  	[bflag:$0x3] =	sbarrier.arrive $0xFFFF  }
0x87: {  	_ =	shalt  }

// kernel: kernel.7.cloned.1.call-start
scs
__scs_entry_jumppad:
0x0: {  	(pc) =	sbr.rel $0x88, $3  }
0x1: {  	(tag) =	ssettag $0x0;
	lr =	simm.s32 $0x1  }
0x2: {  	[smem:$0x3F9C] =	sst lr;
	_ =	strace $0xD0000000  }
0x3: {  	_ = 	snop  }
0x4: {  	_ = 	snop  }
0x5: {  	_ = 	snop  }
0x6: {  	_ = 	snop  }
0x7: {  	_ = 	snop  }
__scs_overlays_trampoline_lowered:
0x8: {  	[smem:$0x3FAB] =	sst s0  }
0x9: {  	[smem:$0x3FAC] =	sst s1  }
0xa: {  	[smem:$0x3FAD] =	sst s2  }
0xb: {  	[smem:$0x3FAE] =	sst s3  }
0xc: {  	[smem:$0x3FAF] =	sst s4  }
0xd: {  	[smem:$0x3FB0] =	sst s5  }
0xe: {  	[smem:$0x3FB1] =	sst s6  }
0xf: {  	[smem:$0x3FB2] =	sst s7  }
0x10: {  	[smem:$0x3FB3] =	sst s8  }
0x11: {  	[smem:$0x3FB4] =	sst s9;
	s0 =	simm.s32 @!p0 $0x0  }
0x12: {  	s1 =	sld [smem:$0x3F9A];
	s0 =	simm.s32 @p0 $0x1  }
0x13: {  	[smem:$0x3FB5] =	sst s0;
	s0 =	simm.s32 @!p1 $0x0  }
0x14: {  	s2 =	sld [smem:$0x3F99];
	s0 =	simm.s32 @p1 $0x1  }
0x15: {  	[smem:$0x3FB6] =	sst s0;
	s0 =	simm.s32 @!p2 $0x0  }
0x16: {  	s3 =	sld [smem:$0x3FDB];
	s0 =	simm.s32 @p2 $0x1  }
0x17: {  	s4 =	simm.s32 $0x1BF5;
	[smem:$0x3FB8] =	sst s0  }
0x18: {  	s0 =	sld [smem:$0x3F9B];
	_ =	swait.ge [sflag:s4], $0x0  }
0x19: {  	s7 =	sld [smem:$0x3F9C]  }
0x1a: {  	s8 =	sadd.s32 $0xFFFFE003, lr  }
0x1b: {  	s9 =	sadd.s32 $0xFFFFFEF7, lr;
	s5 =	simm.s32 $0xFFFFFFFF;
	p2 =	slt.u32 s8, $0xFFFFF086  }
0x1c: {  	p1 =	slt.u32 s9, $0xF7A;
	s5 =	simm.s32 @!p2 $0x0  }
0x1d: {  	s5 =	simm.s32 @p1 $0x1;
	p0 =	seq.s32 s7, s2  }
0x1e: {  	s7 =	smul.u32 @!p0 $0xF7A, s2;
	p2 =	seq.s32 @!p0 s5, $0x0  }
0x1f: {  	s9 =	smul.u32 $0xF7A, s1;
	s8 =	simm.s32 @!p0 $0x1BF5;
	p2 =	por !p2, p0  }
0x20: {  	[sflag:s8] =	ssyncset.s32 @!p0 $0xFFFFF086;
	s6 =	sadd.s32 @!p0 s3, s7;
	s7 =	simm.s32 @!p0 $0x108  }
0x21: {  	s3 =	sadd.s32 s3, s9;
	s6 =	sadd.s32 @!p0 $0x88, s6;
	s7 =	simm.s32 @p2 $0x1082  }
0x22: {  	[simem:s7], [sflag:s8] =	dma.local @!p0 [hbm:s6], $0xF7A  }
0x23: {  	s9 =	sor.u32 $0xD0000000, s2;
	s6 =	simm.s32 $0x108;
	_ =	swait.ge @!p0 [sflag:s8], $0x0  }
0x24: {  	s3 =	sadd.s32 $0x88, s3;
	s6 =	simm.s32 @!p1 $0x1082;
	[sflag:s4] =	ssyncset.s32 $0xFFFFF086  }
0x25: {  	[simem:s6], [sflag:s4] =	dma.local [hbm:s3], $0xF7A  }
0x26: {  	[smem:$0x3F9C] =	sst s1;
	(tag) =	ssettag s2;
	_ =	strace s9  }
0x27: {  	s1 =	sld [smem:$0x3FAC]  }
0x28: {  	s2 =	sld [smem:$0x3FAD]  }
0x29: {  	s4 =	sld [smem:$0x3FAF]  }
0x2a: {  	p0 =	seq.s32 s5, $0x0;
	s5 =	sld [smem:$0x3FB0]  }
0x2b: {  	s6 =	sld [smem:$0x3FB1]  }
0x2c: {  	s7 =	sld [smem:$0x3FB2]  }
0x2d: {  	s3 =	simm.s32 $0x108;
	s8 =	sld [smem:$0x3FB3]  }
0x2e: {  	s3 =	simm.s32 @!p0 $0x1082;
	s9 =	sld [smem:$0x3FB4]  }
0x2f: {  	lr =	sadd.s32 s0, s3;
	s0 =	sld [smem:$0x3FAB]  }
0x30: {  	s3 =	sld [smem:$0x3FAE]  }
0x31: {  	[smem:$0x3FB7] =	sst s10  }
0x32: {  	s10 =	sld [smem:$0x3FB5];
	_ =	sdelay $0x3  }
0x33: {  	p0 =	seq.s32 s10, $0x1;
	s10 =	sld [smem:$0x3FB7];
	_ =	sdelay $0x3  }
0x34: {  	[smem:$0x3FB7] =	sst s10  }
0x35: {  	s10 =	sld [smem:$0x3FB6];
	_ =	sdelay $0x3  }
0x36: {  	p1 =	seq.s32 s10, $0x1;
	s10 =	sld [smem:$0x3FB7];
	_ =	sdelay $0x3  }
0x37: {  	[smem:$0x3FB7] =	sst s10  }
0x38: {  	s10 =	sld [smem:$0x3FB8]  }
0x39: {  	_ = 	snop;
	(pc) =	sbr.ind lr, $3  }
0x3a: {  	_ = 	snop  }
0x3b: {  	_ = 	snop  }
0x3c: {  	p2 =	seq.s32 s10, $0x1;
	s10 =	sld [smem:$0x3FB7]  }
0x3d: {  	_ =	shalt  }
0x3e: {  	_ =	shalt  }
0x3f: {  	_ =	shalt  }
0x40: {  	_ =	shalt  }
0x41: {  	_ =	shalt  }
0x42: {  	_ =	shalt  }
0x43: {  	_ =	shalt  }
0x44: {  	_ =	shalt  }
0x45: {  	_ =	shalt  }
0x46: {  	_ =	shalt  }
0x47: {  	_ =	shalt  }
0x48: {  	_ =	shalt  }
0x49: {  	_ =	shalt  }
0x4a: {  	_ =	shalt  }
0x4b: {  	_ =	shalt  }
0x4c: {  	_ =	shalt  }
0x4d: {  	_ =	shalt  }
0x4e: {  	_ =	shalt  }
0x4f: {  	_ =	shalt  }
0x50: {  	_ =	shalt  }
0x51: {  	_ =	shalt  }
0x52: {  	_ =	shalt  }
0x53: {  	_ =	shalt  }
0x54: {  	_ =	shalt  }
0x55: {  	_ =	shalt  }
0x56: {  	_ =	shalt  }
0x57: {  	_ =	shalt  }
0x58: {  	_ =	shalt  }
0x59: {  	_ =	shalt  }
0x5a: {  	_ =	shalt  }
0x5b: {  	_ =	shalt  }
0x5c: {  	_ =	shalt  }
0x5d: {  	_ =	shalt  }
0x5e: {  	_ =	shalt  }
0x5f: {  	_ =	shalt  }
0x60: {  	_ =	shalt  }
0x61: {  	_ =	shalt  }
0x62: {  	_ =	shalt  }
0x63: {  	_ =	shalt  }
0x64: {  	_ =	shalt  }
0x65: {  	_ =	shalt  }
0x66: {  	_ =	shalt  }
0x67: {  	_ =	shalt  }
0x68: {  	_ =	shalt  }
0x69: {  	_ =	shalt  }
0x6a: {  	_ =	shalt  }
0x6b: {  	_ =	shalt  }
0x6c: {  	_ =	shalt  }
0x6d: {  	_ =	shalt  }
0x6e: {  	_ =	shalt  }
0x6f: {  	_ =	shalt  }
0x70: {  	_ =	shalt  }
0x71: {  	_ =	shalt  }
0x72: {  	_ =	shalt  }
0x73: {  	_ =	shalt  }
0x74: {  	_ =	shalt  }
0x75: {  	_ =	shalt  }
0x76: {  	_ =	shalt  }
0x77: {  	_ =	shalt  }
0x78: {  	_ =	shalt  }
0x79: {  	_ =	shalt  }
0x7a: {  	_ =	shalt  }
0x7b: {  	_ =	shalt  }
0x7c: {  	_ =	shalt  }
0x7d: {  	_ =	shalt  }
0x7e: {  	_ =	shalt  }
0x7f: {  	_ =	shalt  }
0x80: {  	_ =	shalt  }
0x81: {  	_ =	shalt  }
0x82: {  	_ =	shalt  }
0x83: {  	_ =	shalt  }
0x84: {  	_ =	shalt  }
0x85: {  	_ =	shalt  }
0x86: {  	_ =	shalt  }
0x87: {  	_ =	shalt  }
.Lfunc_end0:
.L_simem_size_0:
called_computation.1_lowered:
.L_overlay_start_0:
0x88: {  	s2 =	sld [smem:$0x3FD9]  }
0x89: {  	s3 =	sld [smem:$0x3FFE];
	_ =	sdelay $0x1  }
0x8a: {  	s1 =	srdreg.scid  }
0x8b: {  	s0 =	sand.u32 $0x1, s1  }
0x8c: {  	s14 =	sshll.u32 s0, $0xA;
	s2 =	sadd.s32 s3, s2  }
0x8d: {  	s2 =	sadd.s32 s2, s14  }
0x8e: {  	[smem:$0x3FC3] =	sst s2  }
0x8f: {  	_ = 	snop  }
0x90: {  	s2 =	sld [smem:$0x3FD0];
	_ =	sdelay $0x2  }
0x91: {  	s4 =	simm.s32 $0xB;
	s5 =	simm.s32 $0x10;
	s15 =	sld [smem:$0x3FC9]  }
0x92: {  	[smem:s5], [sflag:s4] =	dma.local [hbm:s2], $0x1  }
0x93: {  	_ =	swait.eq [sflag:s4], $0x1  }
0x94: {  	[sflag:s4] =	ssyncset.done $0x0  }
0x95: {  	[sflag:s4] =	ssyncadd.s32 $0xFFFFFFFF  }
0x96: {  	s16 =	sld [smem:$0x10];
	(tm) =	ssettm $0x1  }
0x97: {  	s17 =	sld [smem:$0x3FFB];
	_ =	sdelay $0x3  }
0x98: {  	_ =	strace s17  }
0x99: {  	s4 =	sld [smem:$0x3FFC];
	_ =	sdelay $0x3  }
0x9a: {  	_ =	strace s4  }
0x9b: {  	s4 =	sld [smem:$0x3FFD];
	_ =	sdelay $0x3  }
0x9c: {  	_ =	strace s4  }
0x9d: {  	_ =	strace $0x8FFFFFFF  }
0x9e: {  	s18 =	sld [smem:$0x3FDB];
	_ =	sdelay $0x1  }
0x9f: {  	s19 =	simm.s32 $_scs_section_size  }
0xa0: {  	s6 =	simm.s32 $_size__tile_overlayer_lowered;
	s7 =	simm.s32 $_tile_overlayer_lowered  }
0xa1: {  	s22 =	simm.s32 $0x1BFF;
	s21 =	sshll.u32 s7, $0x1;
	s4 =	sadd.s32 s19, s18  }
0xa2: {  	s8 =	simm.s32 $0x0;
	s20 =	sshll.u32 s6, $0x1;
	s6 =	sadd.s32 s21, s4  }
0xa3: {  	[timem:s8], [sflag:s22] =	dma.local [hbm:s6], s20  }
0xa4: {  	_ =	swait.ge [sflag:s22], s20  }
0xa5: {  	s5 =	ssub.s32 $0x0, s20;
	[sflag:s22] =	ssyncset.done $0x0  }
0xa6: {  	[sflag:s22] =	ssyncadd.s32 s5;
	_ =	sdelay $0x1  }
0xa7: {  	s23 =	simm.s32 $0x1B8B  }
0xa8: {  	_ =	swait.ge [sflag:s23], $0x1  }
0xa9: {  	[sflag:s23] =	ssyncset.done $0x0  }
0xaa: {  	s25 =	simm.s32 $0x1B8E;
	s24 =	sld [smem:$0x3FFE];
	[sflag:s23] =	ssyncadd.s32 $0xFFFFFFFF  }
0xab: {  	s26 =	simm.s32 $execute0_lowered;
	[smem:$0x3FD2] =	sst s25  }
0xac: {  	s6 =	sshll.u32 s26, $0x1;
	_ =	strace $0x80000046;
	[dreg:$0x1] =	wrdreg $0xFFFFFFFF  }
0xad: {  	s28 =	simm.s32 $_size_execute0_lowered;
	s4 =	sadd.s32 s4, s6;
	[dreg:$0x0] =	wrdreg $0x0  }
0xae: {  	s6 =	sshll.u32 s28, $0x1;
	[dreg:$0x2] =	wrdreg s4  }
0xaf: {  	[dreg:$0x3] =	wrdreg s6  }
0xb0: {  	[dreg:$0x4] =	wrdreg $0xC0  }
0xb1: {  	_ =	task [dreg:s8], $0x5FFFF  }
0xb2: {  	[dreg:$0x1] =	wrdreg $0xFFFFFFFF  }
0xb3: {  	[dreg:$0x0] =	wrdreg $0x60  }
0xb4: {  	[dreg:$0x2] =	wrdreg s15  }
0xb5: {  	[dreg:$0x3] =	wrdreg s24  }
0xb6: {  	[dreg:$0x4] =	wrdreg s16  }
0xb7: {  	[dreg:$0x5] =	wrdreg $0xA  }
0xb8: {  	_ =	task.clear_ibuf [dreg:s8], $0x6FFFF;
	_ =	strace $0x90000046  }
0xb9: {  	s29 =	simm.s32 $0xA;
	_ =	strace $0x80000048  }
0xba: {  	_ =	swait.ge [sflag:s29], $0x1  }
0xbb: {  	[sflag:s29] =	ssyncadd.s32 $0xFFFFFFFF  }
0xbc: {  	_ =	strace $0x90000048  }
0xbd: {  	_ =	sfence  }
0xbe: {  	s30 =	sld [smem:$0x0];
	_ =	sdelay $0x2  }
0xbf: {  	s31 =	sshll.u32 s1, $0xD;
	s1 =	sshrl.u32 s1, $0x2  }
0xc0: {  	s3 =	sand.u32 $0x4000, s31;
	s1 =	sadd.s32 s1, s30  }
0xc1: {  	s0 =	sor.u32 s3, s0;
	s1 =	sshll.u32 s1, $0x11  }
0xc2: {  	s0 =	sor.u32 s1, s0  }
0xc3: {  	s0 =	sadd.s32 $0x8F2B, s0  }
0xc4: {  	[sflag:s0] =	ssyncadd.remote.s32 $0x1  }
0xc5: {  	_ =	sfence.sel $0xFFFF  }
0xc6: {  	[dreg:$0x0] =	wrdreg $0xFFFFFFFF;
	(pc) =	sbr.abs _section_cstart, $3  }
0xc7: {  	[dreg:$0x1] =	wrdreg $0xFFFFFFFF  }
0xc8: {  	_ =	task.clear_ibuf [dreg:s8], $0x2FFFF;
	_ =	strace $0x9FFFFFFF  }
0xc9: {  	(tm) =	ssettm $0x7FFFFFFF  }
tec
execute0_lowered:
.L_overlay_start_1:
0x0: {  	(tag) =	ssettag $0x1  }
0x1: {  	s3 =	rddreg [dreg:$0x0]  }
0x2: {  	s5 =	rddreg [dreg:$0x1]  }
0x3: {  	s1 =	srdreg.scid;
	s0 =	stileid.u32  }
0x4: {  	s14 =	rddreg [dreg:$0x2];
	s15 =	sand.u32 $0x1, s1;
	s4 =	sshll.u32 s0, $0x1  }
0x5: {  	s2 =	simm.s32 $0x0;
	s1 =	rddreg [dreg:$0x3];
	s16 =	sor.u32 s15, s4  }
0x6: {  	[smem:$0x7FF] =	sst s2;
	s4 =	sshll.u32 s16, $0x6  }
0x7: {  	_ =	strace $0x80000047;
	s4 =	sadd.s32 s3, s4;
	s3 =	simm.s32 $0x2  }
0x8: {  	[tilespmem:s2], [sflag:$0x2] =	stream.linear.gather [hbm4b:s4+s2], $0x200, $0x38;
	[tilespmem:$0x4200] =	vst v63  }
0x9: {  	_ =	swait.ge [sflag:s3], $0x200  }
0xa: {  	s6 =	simm.s32 $0x80;
	[sflag:s3] =	ssyncset.done $0x0  }
0xb: {  	s7 =	simm.s32 $0x200;
	s5 =	sadd.s32 $0xF43200, s5;
	[sflag:s3] =	ssyncadd.s32 $0xFFFFFE00  }
0xc: {  	[tilespmem:s7], [sflag:$0x1] =	stream.indirect.gather [hbm4b:s5+s6], $0x20, s2, s6, $0xb8;
	[tilespmem:$0x4200] =	vst v63  }
0xd: {  	s8 =	simm.s32 $0x1200  }
0xe: {  	[tilespmem:s8], [sflag:$0x1] =	stream.indirect.gather [hbm4b:s5+s6], $0x20, s6, s6, $0xb8;
	[tilespmem:$0x4200] =	vst v63  }
0xf: {  	s9 =	simm.s32 $0x100;
	s10 =	simm.s32 $0x2200  }
0x10: {  	[tilespmem:s10], [sflag:$0x1] =	stream.indirect.gather [hbm4b:s5+s6], $0x20, s9, s6, $0xb8;
	[tilespmem:$0x4200] =	vst v63  }
0x11: {  	s11 =	simm.s32 $0x180;
	s12 =	simm.s32 $0x3200;
	s13 =	simm.s32 $0x1  }
0x12: {  	[tilespmem:s12], [sflag:$0x1] =	stream.indirect.gather [hbm4b:s5+s6], $0x20, s11, s6, $0xb8;
	[tilespmem:$0x4200] =	vst v63  }
0x13: {  	_ =	swait.ge [sflag:s13], $0x1000  }
0x14: {  	[sflag:s13] =	ssyncset.done $0x0  }
0x15: {  	[sflag:s13] =	ssyncadd.s32 $0xFFFFF000  }
0x16: {  	_ =	swait.ge [sflag:s13], $0x1000  }
0x17: {  	[sflag:s13] =	ssyncset.done $0x0  }
0x18: {  	s15 =	ssub.s32 $0x2, s15;
	[sflag:s13] =	ssyncadd.s32 $0xFFFFF000  }
0x19: {  	s17 =	sshrl.u32 s15, $0x1;
	_ =	swait.ge [sflag:s13], $0x1000  }
0x1a: {  	s15 =	ssub.s32 s15, s17;
	[sflag:s13] =	ssyncset.done $0x0  }
0x1b: {  	s15 =	smax.u32 s15, $0x1;
	[sflag:s13] =	ssyncadd.s32 $0xFFFFF000  }
0x1c: {  	p0 =	sne.s32 s15, $0x1;
	_ =	swait.ge [sflag:s13], $0x1000  }
.Ltmp0:
0x1d: {  	s16 =	sshll.u32 s16, $0xB;
	[sflag:s13] =	ssyncset.done $0x0;
	(pc) =	sbr.rel @!p0 .LBB2_2-.Ltmp0, $4  }
0x1e: {  	s14 =	sadd.s32 s14, s16;
	[sflag:s13] =	ssyncadd.s32 $0xFFFFF000  }
0x1f: {  	[hbm4b:s14+s2] =	stream.linear.scatter [tilespmem:s7], [sflag:$0x2], $0x4000, $0x38;
	[tilespmem:$0x4200] =	vst v63  }
0x20: {  	_ =	swait.ge [sflag:s3], $0x4000  }
0x21: {  	s15 =	sadd.s32 $0xFFFFFFFF, s15;
	[sflag:s3] =	ssyncset.done $0x0  }
.LBB2_1:
0x22: {  	p0 =	sne.s32 s15, $0x1;
	s15 =	sadd.s32 $0xFFFFFFFF, s15;
	[sflag:s3] =	ssyncadd.s32 $0xFFFFC000  }
0x23: {  	[tilespmem:s2], [sflag:$0x2] =	stream.linear.gather [hbm4b:s4+s2], $0x200, $0x38;
	[tilespmem:$0x4200] =	vst v63  }
0x24: {  	_ =	swait.ge [sflag:s3], $0x200  }
0x25: {  	[sflag:s3] =	ssyncset.done $0x0  }
0x26: {  	[sflag:s3] =	ssyncadd.s32 $0xFFFFFE00  }
0x27: {  	[tilespmem:s7], [sflag:$0x1] =	stream.indirect.gather [hbm4b:s5+s6], $0x20, s2, s6, $0xb8;
	[tilespmem:$0x4200] =	vst v63  }
0x28: {  	_ = 	snop  }
0x29: {  	[tilespmem:s8], [sflag:$0x1] =	stream.indirect.gather [hbm4b:s5+s6], $0x20, s6, s6, $0xb8;
	[tilespmem:$0x4200] =	vst v63  }
0x2a: {  	_ = 	snop  }
0x2b: {  	[tilespmem:s10], [sflag:$0x1] =	stream.indirect.gather [hbm4b:s5+s6], $0x20, s9, s6, $0xb8;
	[tilespmem:$0x4200] =	vst v63  }
0x2c: {  	_ = 	snop  }
0x2d: {  	[tilespmem:s12], [sflag:$0x1] =	stream.indirect.gather [hbm4b:s5+s6], $0x20, s11, s6, $0xb8;
	[tilespmem:$0x4200] =	vst v63  }
0x2e: {  	_ =	swait.ge [sflag:s13], $0x1000  }
0x2f: {  	[sflag:s13] =	ssyncset.done $0x0  }
0x30: {  	[sflag:s13] =	ssyncadd.s32 $0xFFFFF000  }
0x31: {  	_ =	swait.ge [sflag:s13], $0x1000  }
0x32: {  	[sflag:s13] =	ssyncset.done $0x0  }
0x33: {  	[sflag:s13] =	ssyncadd.s32 $0xFFFFF000  }
0x34: {  	_ =	swait.ge [sflag:s13], $0x1000  }
0x35: {  	[sflag:s13] =	ssyncset.done $0x0  }
0x36: {  	[sflag:s13] =	ssyncadd.s32 $0xFFFFF000  }
0x37: {  	_ =	swait.ge [sflag:s13], $0x1000  }
.Ltmp1:
0x38: {  	[sflag:s13] =	ssyncset.done $0x0;
	(pc) =	sbr.rel @p0 .LBB2_1-.Ltmp1, $4  }
0x39: {  	[sflag:s13] =	ssyncadd.s32 $0xFFFFF000  }
0x3a: {  	[hbm4b:s14+s2] =	stream.linear.scatter [tilespmem:s7], [sflag:$0x2], $0x4000, $0x38;
	[tilespmem:$0x4200] =	vst v63  }
0x3b: {  	_ =	swait.ge [sflag:s3], $0x4000  }
0x3c: {  	[sflag:s3] =	ssyncset.done $0x0  }
.LBB2_2:
0x3d: {  	[sflag:s3] =	ssyncadd.s32 $0xFFFFC000  }
0x3e: {  	_ =	sfence.sel $0x180000  }
0x3f: {  	[bflag:$0x0] =	sbarrier.arrive $0xFFFF  }
0x40: {  	p0 =	sne.s32 s0, $0x0;
	_ =	strace $0x90000047  }
0x41: {  	s0 =	sadd.s32 @!p0 $0x100000, s1;
	[bflag:$0x2] =	sbarrier.arrive $0xFFFF  }
0x42: {  	[sflag:s0] =	ssyncadd.tile.s32 @!p0 $0x1;
	_ =	shalt  }
.Lfunc_end2:
_tile_overlayer_lowered:
.L_overlay_start_2:
0x43: {  	(tag) =	ssettag $0x2  }
0x44: {  	s0 =	rddreg [dreg:$0x0];
	s2 =	stileid.u32  }
0x45: {  	s1 =	rddreg [dreg:$0x1];
	p0 =	sne.s32 s2, $0x0  }
0x46: {  	s3 =	rddreg [dreg:$0x2];
	[bflag:$0x3] =	sbarrier.arrive $0xFFFF;
	s2 =	simm.s32 @!p0 $0x1C02  }
0x47: {  	[timem:s3], [sflag:s2] =	dma.local @!p0 [hbm:s0], s1  }
0x48: {  	s0 =	simm.s32 @!p0 $0x2  }
0x49: {  	_ =	swait.ge @!p0 [sflag:s0], s1  }
0x4a: {  	s1 =	ssub.s32 @!p0 $0x0, s1;
	[sflag:s0] =	ssyncset.done @!p0 $0x0  }
0x4b: {  	[sflag:s0] =	ssyncadd.s32 @!p0 s1  }
0x4c: {  	[bflag:$0x3] =	sbarrier.arrive $0xFFFF  }
0x4d: {  	_ =	shalt  }

</sc_bundles>
